<compile_context>
chip_gen: v7x
topology: tpu7x:2x2x1
jax: 0.10.2.dev20260603
libtpu: 0.0.44.dev20260713+nightly
codegen_flags: <defaults>
</compile_context>

<pallas_src>
import functools

import jax
import jax.numpy as jnp
from jax import lax
from jax.experimental import pallas as pl
from jax.experimental.pallas import tpu as pltpu
from jax.experimental.pallas import tpu_sc as plsc

_BATCH = 16384
_DIM = 2048
_CHUNK_ROWS = 32


@functools.lru_cache(maxsize=1)
def _make_sc_copy():
    info = plsc.get_sparse_core_info()
    nw = info.num_cores * info.num_subcores
    nc = info.num_cores
    rows_per_tile = _BATCH // nw
    nchunks = rows_per_tile // _CHUNK_ROWS
    mesh = plsc.VectorSubcoreMesh(core_axis_name="c", subcore_axis_name="s")

    @functools.partial(
        pl.kernel,
        mesh=mesh,
        out_type=jax.ShapeDtypeStruct((_BATCH, _DIM), jnp.float32),
        scratch_types=[
            pltpu.VMEM_SHARED((16, 1, _CHUNK_ROWS, _DIM), jnp.float32),
            pltpu.VMEM((1, _CHUNK_ROWS, _DIM), jnp.float32),
            pltpu.SemaphoreType.DMA((2,)),
            pltpu.SemaphoreType.DMA((2,)),
        ],
    )
    def sc_copy(h_hbm, out_hbm, shared, tbuf, rsem, wsem):
        sid = lax.axis_index("s")
        wid = sid * nc + lax.axis_index("c")
        base = wid * rows_per_tile
        bufs = (shared.at[sid, 0], tbuf.at[0])
        depth = 2

        def rd(i, b):
            return pltpu.make_async_copy(
                h_hbm.at[pl.ds(base + i * _CHUNK_ROWS, _CHUNK_ROWS), :],
                bufs[b], rsem.at[b])

        def wr(i, b):
            return pltpu.make_async_copy(
                bufs[b],
                out_hbm.at[pl.ds(base + i * _CHUNK_ROWS, _CHUNK_ROWS), :],
                wsem.at[b])

        for j in range(depth - 1):
            rd(j, j).start()
        for i in range(nchunks):
            b = i % depth
            if i >= 1:
                wr(i - 1, (i - 1) % depth).wait()
            if i + depth - 1 < nchunks:
                rd(i + depth - 1, (i + depth - 1) % depth).start()
            rd(i, b).wait()
            wr(i, b).start()
        wr(nchunks - 1, (nchunks - 1) % depth).wait()

    return sc_copy


def kernel(h):
    return _make_sc_copy()(h)

# --- scband reference (transcript-rebuilt; emitter-appended) ---
"""Pipeline reference for scband-eme-lmp-68856915689994 (READ-ONLY COPY).

The authoritative reference and input builder live on the scoring server;
editing this copy changes nothing except your own understanding.
"""

import jax, jax.numpy as jnp
import numpy as np

BATCH = 16384
DIM = 2048
H_UPPER = 10


def setup_inputs(seed: int = 0) -> dict:
    key = jax.random.key(seed)
    h = jax.random.normal(key, (BATCH, DIM), dtype=jnp.float32)
    return {"h": h}


def reference(h):
    # Faithful translation of EmeLMP.forward on the FIRST training call.
    # Module is freshly constructed: h_count starts at 0, buffers h_mean/h_var
    # are zeros (fp16). forward() increments h_count to 1, which hits the
    # `h_count == 1` branch: buffers are updated from detached batch statistics
    # and h is returned UNCHANGED (punish_best only fires once h_count > h_upper).
    h_ = jax.lax.stop_gradient(h)
    h_u = jnp.mean(h_, axis=0, keepdims=True)
    h_v = jnp.var(h_, axis=0, keepdims=True)  # unbiased=False
    batch_size = h.shape[0]
    # buffer updates (stateful side effects in torch; computed here for fidelity
    # of memory traffic, they do not alter the returned value)
    h_mean_buf = (jnp.zeros((1, DIM), dtype=jnp.float16) + h_u.astype(jnp.float16))
    h_var_buf = (jnp.zeros((1, DIM), dtype=jnp.float16)
                 + (h_v * batch_size / (batch_size - 1)).astype(jnp.float16))
    # forward output is the input tensor unchanged on this step
    return h

if __name__ == "__main__":
    import jax
    _d = setup_inputs()
    print(jax.jit(kernel)(*tuple(_d.values())))

</pallas_src>

<mosaic_0001>
#map = affine_map<(d0, d1) -> (0, 0)>
module attributes {stable_mosaic.version = 14 : i64} {
  func.func @sc_copy(%arg0: i32, %arg1: i32, %arg2: memref<16384x2048xf32, #tpu.memory_space<hbm>>, %arg3: memref<16384x2048xf32, #tpu.memory_space<hbm>>, %arg4: memref<16x1x32x2048xf32, #tpu.memory_space<vmem_shared>>, %arg5: memref<1x32x2048xf32, #tpu.memory_space<vmem>>, %arg6: memref<2x!tpu.dma_semaphore, #tpu.memory_space<semaphore_mem>>, %arg7: memref<2x!tpu.dma_semaphore, #tpu.memory_space<semaphore_mem>>) attributes {dimension_semantics = [#tpu.dimension_semantics<core_parallel>, #tpu.dimension_semantics<subcore_parallel>], iteration_bounds = array<i64: 2, 16>, scalar_prefetch = 0 : i64, scratch_operands = 4 : i64, tpu.core_type = #tpu.core_type<sc_vector_subcore>, window_params = [{transform_indices = #map}, {transform_indices = #map}]} {
    %mul3A = arith.constant 2 : i32
    %mul3A_0 = arith.muli %arg1, %mul3A : i32
    %add3A = arith.addi %mul3A_0, %arg0 : i32
    %mul3A_1 = arith.constant 512 : i32
    %mul3A_2 = arith.muli %add3A, %mul3A_1 : i32
    %add3A_3 = arith.constant 0 : i32
    %add3A_4 = arith.addi %mul3A_2, %add3A_3 : i32
    %dma_start3A = arith.constant 0 : i32
    %dma_start3A_5 = arith.constant 0 : i32
    %dma_start3A_6 = tpu.memref_slice %arg6[%dma_start3A_5] : memref<2x!tpu.dma_semaphore, #tpu.memory_space<semaphore_mem>> -> memref<1x!tpu.dma_semaphore, #tpu.memory_space<semaphore_mem>>
    %dma_start3A_7 = tpu.memref_squeeze %dma_start3A_6 : memref<1x!tpu.dma_semaphore, #tpu.memory_space<semaphore_mem>> -> memref<!tpu.dma_semaphore, #tpu.memory_space<semaphore_mem>>
    %dma_start3A_8 = arith.constant 0 : i32
    %dma_start3A_9 = arith.constant 0 : i32
    %dma_start3A_10 = tpu.memref_slice %arg4[%arg1, %dma_start3A, %dma_start3A_8, %dma_start3A_9] : memref<16x1x32x2048xf32, #tpu.memory_space<vmem_shared>> -> memref<1x1x32x2048xf32, #tpu.memory_space<vmem_shared>>
    %dma_start3A_11 = tpu.memref_squeeze %dma_start3A_10 : memref<1x1x32x2048xf32, #tpu.memory_space<vmem_shared>> -> memref<32x2048xf32, #tpu.memory_space<vmem_shared>>
    %dma_start3A_12 = arith.constant 0 : i32
    %dma_start3A_13 = tpu.memref_slice %arg2[%add3A_4, %dma_start3A_12] : memref<16384x2048xf32, #tpu.memory_space<hbm>> -> memref<32x2048xf32, #tpu.memory_space<hbm>>
    tpu.enqueue_dma source(%dma_start3A_13 : memref<32x2048xf32, #tpu.memory_space<hbm>>) target(%dma_start3A_11 : memref<32x2048xf32, #tpu.memory_space<vmem_shared>>) target_semaphore(%dma_start3A_7 : memref<!tpu.dma_semaphore, #tpu.memory_space<semaphore_mem>>)
    %add3A_14 = arith.constant 32 : i32
    %add3A_15 = arith.addi %mul3A_2, %add3A_14 : i32
    %dma_start3A_16 = arith.constant 0 : i32
    %dma_start3A_17 = arith.constant 1 : i32
    %dma_start3A_18 = arith.constant 0 : i32
    %dma_start3A_19 = arith.constant 0 : i32
    %dma_start3A_20 = tpu.memref_slice %arg5[%dma_start3A_16, %dma_start3A_18, %dma_start3A_19] : memref<1x32x2048xf32, #tpu.memory_space<vmem>> -> memref<1x32x2048xf32, #tpu.memory_space<vmem>>
    %dma_start3A_21 = tpu.memref_squeeze %dma_start3A_20 : memref<1x32x2048xf32, #tpu.memory_space<vmem>> -> memref<32x2048xf32, #tpu.memory_space<vmem>>
    %dma_start3A_22 = arith.constant 0 : i32
    %dma_start3A_23 = tpu.memref_slice %arg2[%add3A_15, %dma_start3A_22] : memref<16384x2048xf32, #tpu.memory_space<hbm>> -> memref<32x2048xf32, #tpu.memory_space<hbm>>
    %dma_start3A_24 = tpu.memref_slice %arg6[%dma_start3A_17] : memref<2x!tpu.dma_semaphore, #tpu.memory_space<semaphore_mem>> -> memref<1x!tpu.dma_semaphore, #tpu.memory_space<semaphore_mem>>
    %dma_start3A_25 = tpu.memref_squeeze %dma_start3A_24 : memref<1x!tpu.dma_semaphore, #tpu.memory_space<semaphore_mem>> -> memref<!tpu.dma_semaphore, #tpu.memory_space<semaphore_mem>>
    %dma_start3A_26 = arith.constant 0 : i32
    %dma_start3A_27 = arith.constant 0 : i32
    %dma_start3A_28 = tpu.memref_slice %arg5[%dma_start3A_16, %dma_start3A_26, %dma_start3A_27] : memref<1x32x2048xf32, #tpu.memory_space<vmem>> -> memref<1x32x2048xf32, #tpu.memory_space<vmem>>
    %dma_start3A_29 = tpu.memref_squeeze %dma_start3A_28 : memref<1x32x2048xf32, #tpu.memory_space<vmem>> -> memref<32x2048xf32, #tpu.memory_space<vmem>>
    %dma_start3A_30 = arith.constant 0 : i32
    %dma_start3A_31 = tpu.memref_slice %arg2[%add3A_15, %dma_start3A_30] : memref<16384x2048xf32, #tpu.memory_space<hbm>> -> memref<32x2048xf32, #tpu.memory_space<hbm>>
    tpu.enqueue_dma source(%dma_start3A_31 : memref<32x2048xf32, #tpu.memory_space<hbm>>) target(%dma_start3A_29 : memref<32x2048xf32, #tpu.memory_space<vmem>>) target_semaphore(%dma_start3A_25 : memref<!tpu.dma_semaphore, #tpu.memory_space<semaphore_mem>>)
    %add3A_32 = arith.constant 0 : i32
    %add3A_33 = arith.addi %mul3A_2, %add3A_32 : i32
    %dma_wait3A = arith.constant 0 : i32
    %dma_wait3A_34 = arith.constant 0 : i32
    %dma_wait3A_35 = tpu.memref_slice %arg6[%dma_wait3A_34] : memref<2x!tpu.dma_semaphore, #tpu.memory_space<semaphore_mem>> -> memref<1x!tpu.dma_semaphore, #tpu.memory_space<semaphore_mem>>
    %dma_wait3A_36 = tpu.memref_squeeze %dma_wait3A_35 : memref<1x!tpu.dma_semaphore, #tpu.memory_space<semaphore_mem>> -> memref<!tpu.dma_semaphore, #tpu.memory_space<semaphore_mem>>
    %dma_wait3A_37 = arith.constant 0 : i32
    %dma_wait3A_38 = arith.constant 0 : i32
    %dma_wait3A_39 = tpu.memref_slice %arg4[%arg1, %dma_wait3A, %dma_wait3A_37, %dma_wait3A_38] : memref<16x1x32x2048xf32, #tpu.memory_space<vmem_shared>> -> memref<1x1x32x2048xf32, #tpu.memory_space<vmem_shared>>
    %dma_wait3A_40 = tpu.memref_squeeze %dma_wait3A_39 : memref<1x1x32x2048xf32, #tpu.memory_space<vmem_shared>> -> memref<32x2048xf32, #tpu.memory_space<vmem_shared>>
    %dma_wait3A_41 = arith.constant 0 : i32
    %dma_wait3A_42 = tpu.memref_slice %arg2[%add3A_33, %dma_wait3A_41] : memref<16384x2048xf32, #tpu.memory_space<hbm>> -> memref<32x2048xf32, #tpu.memory_space<hbm>>
    tpu.wait_dma2 semaphore(%dma_wait3A_36 : memref<!tpu.dma_semaphore, #tpu.memory_space<semaphore_mem>>) src(%dma_wait3A_42 : memref<32x2048xf32, #tpu.memory_space<hbm>>) dst(%dma_wait3A_40 : memref<32x2048xf32, #tpu.memory_space<vmem_shared>>)
    %add3A_43 = arith.constant 0 : i32
    %add3A_44 = arith.addi %mul3A_2, %add3A_43 : i32
    %dma_start3A_45 = arith.constant 0 : i32
    %dma_start3A_46 = arith.constant 0 : i32
    %dma_start3A_47 = tpu.memref_slice %arg7[%dma_start3A_46] : memref<2x!tpu.dma_semaphore, #tpu.memory_space<semaphore_mem>> -> memref<1x!tpu.dma_semaphore, #tpu.memory_space<semaphore_mem>>
    %dma_start3A_48 = tpu.memref_squeeze %dma_start3A_47 : memref<1x!tpu.dma_semaphore, #tpu.memory_space<semaphore_mem>> -> memref<!tpu.dma_semaphore, #tpu.memory_space<semaphore_mem>>
    %dma_start3A_49 = arith.constant 0 : i32
    %dma_start3A_50 = tpu.memref_slice %arg3[%add3A_44, %dma_start3A_49] : memref<16384x2048xf32, #tpu.memory_space<hbm>> -> memref<32x2048xf32, #tpu.memory_space<hbm>>
    %dma_start3A_51 = arith.constant 0 : i32
    %dma_start3A_52 = arith.constant 0 : i32
    %dma_start3A_53 = tpu.memref_slice %arg4[%arg1, %dma_start3A_45, %dma_start3A_51, %dma_start3A_52] : memref<16x1x32x2048xf32, #tpu.memory_space<vmem_shared>> -> memref<1x1x32x2048xf32, #tpu.memory_space<vmem_shared>>
    %dma_start3A_54 = tpu.memref_squeeze %dma_start3A_53 : memref<1x1x32x2048xf32, #tpu.memory_space<vmem_shared>> -> memref<32x2048xf32, #tpu.memory_space<vmem_shared>>
    tpu.enqueue_dma source(%dma_start3A_54 : memref<32x2048xf32, #tpu.memory_space<vmem_shared>>) target(%dma_start3A_50 : memref<32x2048xf32, #tpu.memory_space<hbm>>) target_semaphore(%dma_start3A_48 : memref<!tpu.dma_semaphore, #tpu.memory_space<semaphore_mem>>)
    %add3A_55 = arith.constant 0 : i32
    %add3A_56 = arith.addi %mul3A_2, %add3A_55 : i32
    %dma_wait3A_57 = arith.constant 0 : i32
    %dma_wait3A_58 = arith.constant 0 : i32
    %dma_wait3A_59 = tpu.memref_slice %arg7[%dma_wait3A_58] : memref<2x!tpu.dma_semaphore, #tpu.memory_space<semaphore_mem>> -> memref<1x!tpu.dma_semaphore, #tpu.memory_space<semaphore_mem>>
    %dma_wait3A_60 = tpu.memref_squeeze %dma_wait3A_59 : memref<1x!tpu.dma_semaphore, #tpu.memory_space<semaphore_mem>> -> memref<!tpu.dma_semaphore, #tpu.memory_space<semaphore_mem>>
    %dma_wait3A_61 = arith.constant 0 : i32
    %dma_wait3A_62 = tpu.memref_slice %arg3[%add3A_56, %dma_wait3A_61] : memref<16384x2048xf32, #tpu.memory_space<hbm>> -> memref<32x2048xf32, #tpu.memory_space<hbm>>
    %dma_wait3A_63 = arith.constant 0 : i32
    %dma_wait3A_64 = arith.constant 0 : i32
    %dma_wait3A_65 = tpu.memref_slice %arg4[%arg1, %dma_wait3A_57, %dma_wait3A_63, %dma_wait3A_64] : memref<16x1x32x2048xf32, #tpu.memory_space<vmem_shared>> -> memref<1x1x32x2048xf32, #tpu.memory_space<vmem_shared>>
    %dma_wait3A_66 = tpu.memref_squeeze %dma_wait3A_65 : memref<1x1x32x2048xf32, #tpu.memory_space<vmem_shared>> -> memref<32x2048xf32, #tpu.memory_space<vmem_shared>>
    tpu.wait_dma2 semaphore(%dma_wait3A_60 : memref<!tpu.dma_semaphore, #tpu.memory_space<semaphore_mem>>) src(%dma_wait3A_66 : memref<32x2048xf32, #tpu.memory_space<vmem_shared>>) dst(%dma_wait3A_62 : memref<32x2048xf32, #tpu.memory_space<hbm>>)
    %add3A_67 = arith.constant 64 : i32
    %add3A_68 = arith.addi %mul3A_2, %add3A_67 : i32
    %dma_start3A_69 = arith.constant 0 : i32
    %dma_start3A_70 = arith.constant 0 : i32
    %dma_start3A_71 = tpu.memref_slice %arg6[%dma_start3A_70] : memref<2x!tpu.dma_semaphore, #tpu.memory_space<semaphore_mem>> -> memref<1x!tpu.dma_semaphore, #tpu.memory_space<semaphore_mem>>
    %dma_start3A_72 = tpu.memref_squeeze %dma_start3A_71 : memref<1x!tpu.dma_semaphore, #tpu.memory_space<semaphore_mem>> -> memref<!tpu.dma_semaphore, #tpu.memory_space<semaphore_mem>>
    %dma_start3A_73 = arith.constant 0 : i32
    %dma_start3A_74 = arith.constant 0 : i32
    %dma_start3A_75 = tpu.memref_slice %arg4[%arg1, %dma_start3A_69, %dma_start3A_73, %dma_start3A_74] : memref<16x1x32x2048xf32, #tpu.memory_space<vmem_shared>> -> memref<1x1x32x2048xf32, #tpu.memory_space<vmem_shared>>
    %dma_start3A_76 = tpu.memref_squeeze %dma_start3A_75 : memref<1x1x32x2048xf32, #tpu.memory_space<vmem_shared>> -> memref<32x2048xf32, #tpu.memory_space<vmem_shared>>
    %dma_start3A_77 = arith.constant 0 : i32
    %dma_start3A_78 = tpu.memref_slice %arg2[%add3A_68, %dma_start3A_77] : memref<16384x2048xf32, #tpu.memory_space<hbm>> -> memref<32x2048xf32, #tpu.memory_space<hbm>>
    tpu.enqueue_dma source(%dma_start3A_78 : memref<32x2048xf32, #tpu.memory_space<hbm>>) target(%dma_start3A_76 : memref<32x2048xf32, #tpu.memory_space<vmem_shared>>) target_semaphore(%dma_start3A_72 : memref<!tpu.dma_semaphore, #tpu.memory_space<semaphore_mem>>)
    %add3A_79 = arith.constant 32 : i32
    %add3A_80 = arith.addi %mul3A_2, %add3A_79 : i32
    %dma_wait3A_81 = arith.constant 0 : i32
    %dma_wait3A_82 = arith.constant 1 : i32
    %dma_wait3A_83 = arith.constant 0 : i32
    %dma_wait3A_84 = arith.constant 0 : i32
    %dma_wait3A_85 = tpu.memref_slice %arg5[%dma_wait3A_81, %dma_wait3A_83, %dma_wait3A_84] : memref<1x32x2048xf32, #tpu.memory_space<vmem>> -> memref<1x32x2048xf32, #tpu.memory_space<vmem>>
    %dma_wait3A_86 = tpu.memref_squeeze %dma_wait3A_85 : memref<1x32x2048xf32, #tpu.memory_space<vmem>> -> memref<32x2048xf32, #tpu.memory_space<vmem>>
    %dma_wait3A_87 = arith.constant 0 : i32
    %dma_wait3A_88 = tpu.memref_slice %arg2[%add3A_80, %dma_wait3A_87] : memref<16384x2048xf32, #tpu.memory_space<hbm>> -> memref<32x2048xf32, #tpu.memory_space<hbm>>
    %dma_wait3A_89 = tpu.memref_slice %arg6[%dma_wait3A_82] : memref<2x!tpu.dma_semaphore, #tpu.memory_space<semaphore_mem>> -> memref<1x!tpu.dma_semaphore, #tpu.memory_space<semaphore_mem>>
    %dma_wait3A_90 = tpu.memref_squeeze %dma_wait3A_89 : memref<1x!tpu.dma_semaphore, #tpu.memory_space<semaphore_mem>> -> memref<!tpu.dma_semaphore, #tpu.memory_space<semaphore_mem>>
    %dma_wait3A_91 = arith.constant 0 : i32
    %dma_wait3A_92 = arith.constant 0 : i32
    %dma_wait3A_93 = tpu.memref_slice %arg5[%dma_wait3A_81, %dma_wait3A_91, %dma_wait3A_92] : memref<1x32x2048xf32, #tpu.memory_space<vmem>> -> memref<1x32x2048xf32, #tpu.memory_space<vmem>>
    %dma_wait3A_94 = tpu.memref_squeeze %dma_wait3A_93 : memref<1x32x2048xf32, #tpu.memory_space<vmem>> -> memref<32x2048xf32, #tpu.memory_space<vmem>>
    %dma_wait3A_95 = arith.constant 0 : i32
    %dma_wait3A_96 = tpu.memref_slice %arg2[%add3A_80, %dma_wait3A_95] : memref<16384x2048xf32, #tpu.memory_space<hbm>> -> memref<32x2048xf32, #tpu.memory_space<hbm>>
    tpu.wait_dma2 semaphore(%dma_wait3A_90 : memref<!tpu.dma_semaphore, #tpu.memory_space<semaphore_mem>>) src(%dma_wait3A_96 : memref<32x2048xf32, #tpu.memory_space<hbm>>) dst(%dma_wait3A_94 : memref<32x2048xf32, #tpu.memory_space<vmem>>)
    %add3A_97 = arith.constant 32 : i32
    %add3A_98 = arith.addi %mul3A_2, %add3A_97 : i32
    %dma_start3A_99 = arith.constant 0 : i32
    %dma_start3A_100 = arith.constant 1 : i32
    %dma_start3A_101 = arith.constant 0 : i32
    %dma_start3A_102 = arith.constant 0 : i32
    %dma_start3A_103 = tpu.memref_slice %arg5[%dma_start3A_99, %dma_start3A_101, %dma_start3A_102] : memref<1x32x2048xf32, #tpu.memory_space<vmem>> -> memref<1x32x2048xf32, #tpu.memory_space<vmem>>
    %dma_start3A_104 = tpu.memref_squeeze %dma_start3A_103 : memref<1x32x2048xf32, #tpu.memory_space<vmem>> -> memref<32x2048xf32, #tpu.memory_space<vmem>>
    %dma_start3A_105 = arith.constant 0 : i32
    %dma_start3A_106 = tpu.memref_slice %arg3[%add3A_98, %dma_start3A_105] : memref<16384x2048xf32, #tpu.memory_space<hbm>> -> memref<32x2048xf32, #tpu.memory_space<hbm>>
    %dma_start3A_107 = tpu.memref_slice %arg7[%dma_start3A_100] : memref<2x!tpu.dma_semaphore, #tpu.memory_space<semaphore_mem>> -> memref<1x!tpu.dma_semaphore, #tpu.memory_space<semaphore_mem>>
    %dma_start3A_108 = tpu.memref_squeeze %dma_start3A_107 : memref<1x!tpu.dma_semaphore, #tpu.memory_space<semaphore_mem>> -> memref<!tpu.dma_semaphore, #tpu.memory_space<semaphore_mem>>
    %dma_start3A_109 = arith.constant 0 : i32
    %dma_start3A_110 = tpu.memref_slice %arg3[%add3A_98, %dma_start3A_109] : memref<16384x2048xf32, #tpu.memory_space<hbm>> -> memref<32x2048xf32, #tpu.memory_space<hbm>>
    %dma_start3A_111 = arith.constant 0 : i32
    %dma_start3A_112 = arith.constant 0 : i32
    %dma_start3A_113 = tpu.memref_slice %arg5[%dma_start3A_99, %dma_start3A_111, %dma_start3A_112] : memref<1x32x2048xf32, #tpu.memory_space<vmem>> -> memref<1x32x2048xf32, #tpu.memory_space<vmem>>
    %dma_start3A_114 = tpu.memref_squeeze %dma_start3A_113 : memref<1x32x2048xf32, #tpu.memory_space<vmem>> -> memref<32x2048xf32, #tpu.memory_space<vmem>>
    tpu.enqueue_dma source(%dma_start3A_114 : memref<32x2048xf32, #tpu.memory_space<vmem>>) target(%dma_start3A_110 : memref<32x2048xf32, #tpu.memory_space<hbm>>) target_semaphore(%dma_start3A_108 : memref<!tpu.dma_semaphore, #tpu.memory_space<semaphore_mem>>)
    %add3A_115 = arith.constant 32 : i32
    %add3A_116 = arith.addi %mul3A_2, %add3A_115 : i32
    %dma_wait3A_117 = arith.constant 0 : i32
    %dma_wait3A_118 = arith.constant 1 : i32
    %dma_wait3A_119 = arith.constant 0 : i32
    %dma_wait3A_120 = arith.constant 0 : i32
    %dma_wait3A_121 = tpu.memref_slice %arg5[%dma_wait3A_117, %dma_wait3A_119, %dma_wait3A_120] : memref<1x32x2048xf32, #tpu.memory_space<vmem>> -> memref<1x32x2048xf32, #tpu.memory_space<vmem>>
    %dma_wait3A_122 = tpu.memref_squeeze %dma_wait3A_121 : memref<1x32x2048xf32, #tpu.memory_space<vmem>> -> memref<32x2048xf32, #tpu.memory_space<vmem>>
    %dma_wait3A_123 = arith.constant 0 : i32
    %dma_wait3A_124 = tpu.memref_slice %arg3[%add3A_116, %dma_wait3A_123] : memref<16384x2048xf32, #tpu.memory_space<hbm>> -> memref<32x2048xf32, #tpu.memory_space<hbm>>
    %dma_wait3A_125 = tpu.memref_slice %arg7[%dma_wait3A_118] : memref<2x!tpu.dma_semaphore, #tpu.memory_space<semaphore_mem>> -> memref<1x!tpu.dma_semaphore, #tpu.memory_space<semaphore_mem>>
    %dma_wait3A_126 = tpu.memref_squeeze %dma_wait3A_125 : memref<1x!tpu.dma_semaphore, #tpu.memory_space<semaphore_mem>> -> memref<!tpu.dma_semaphore, #tpu.memory_space<semaphore_mem>>
    %dma_wait3A_127 = arith.constant 0 : i32
    %dma_wait3A_128 = tpu.memref_slice %arg3[%add3A_116, %dma_wait3A_127] : memref<16384x2048xf32, #tpu.memory_space<hbm>> -> memref<32x2048xf32, #tpu.memory_space<hbm>>
    %dma_wait3A_129 = arith.constant 0 : i32
    %dma_wait3A_130 = arith.constant 0 : i32
    %dma_wait3A_131 = tpu.memref_slice %arg5[%dma_wait3A_117, %dma_wait3A_129, %dma_wait3A_130] : memref<1x32x2048xf32, #tpu.memory_space<vmem>> -> memref<1x32x2048xf32, #tpu.memory_space<vmem>>
    %dma_wait3A_132 = tpu.memref_squeeze %dma_wait3A_131 : memref<1x32x2048xf32, #tpu.memory_space<vmem>> -> memref<32x2048xf32, #tpu.memory_space<vmem>>
    tpu.wait_dma2 semaphore(%dma_wait3A_126 : memref<!tpu.dma_semaphore, #tpu.memory_space<semaphore_mem>>) src(%dma_wait3A_132 : memref<32x2048xf32, #tpu.memory_space<vmem>>) dst(%dma_wait3A_128 : memref<32x2048xf32, #tpu.memory_space<hbm>>)
    %add3A_133 = arith.constant 96 : i32
    %add3A_134 = arith.addi %mul3A_2, %add3A_133 : i32
    %dma_start3A_135 = arith.constant 0 : i32
    %dma_start3A_136 = arith.constant 1 : i32
    %dma_start3A_137 = arith.constant 0 : i32
    %dma_start3A_138 = arith.constant 0 : i32
    %dma_start3A_139 = tpu.memref_slice %arg5[%dma_start3A_135, %dma_start3A_137, %dma_start3A_138] : memref<1x32x2048xf32, #tpu.memory_space<vmem>> -> memref<1x32x2048xf32, #tpu.memory_space<vmem>>
    %dma_start3A_140 = tpu.memref_squeeze %dma_start3A_139 : memref<1x32x2048xf32, #tpu.memory_space<vmem>> -> memref<32x2048xf32, #tpu.memory_space<vmem>>
    %dma_start3A_141 = arith.constant 0 : i32
    %dma_start3A_142 = tpu.memref_slice %arg2[%add3A_134, %dma_start3A_141] : memref<16384x2048xf32, #tpu.memory_space<hbm>> -> memref<32x2048xf32, #tpu.memory_space<hbm>>
    %dma_start3A_143 = tpu.memref_slice %arg6[%dma_start3A_136] : memref<2x!tpu.dma_semaphore, #tpu.memory_space<semaphore_mem>> -> memref<1x!tpu.dma_semaphore, #tpu.memory_space<semaphore_mem>>
    %dma_start3A_144 = tpu.memref_squeeze %dma_start3A_143 : memref<1x!tpu.dma_semaphore, #tpu.memory_space<semaphore_mem>> -> memref<!tpu.dma_semaphore, #tpu.memory_space<semaphore_mem>>
    %dma_start3A_145 = arith.constant 0 : i32
    %dma_start3A_146 = arith.constant 0 : i32
    %dma_start3A_147 = tpu.memref_slice %arg5[%dma_start3A_135, %dma_start3A_145, %dma_start3A_146] : memref<1x32x2048xf32, #tpu.memory_space<vmem>> -> memref<1x32x2048xf32, #tpu.memory_space<vmem>>
    %dma_start3A_148 = tpu.memref_squeeze %dma_start3A_147 : memref<1x32x2048xf32, #tpu.memory_space<vmem>> -> memref<32x2048xf32, #tpu.memory_space<vmem>>
    %dma_start3A_149 = arith.constant 0 : i32
    %dma_start3A_150 = tpu.memref_slice %arg2[%add3A_134, %dma_start3A_149] : memref<16384x2048xf32, #tpu.memory_space<hbm>> -> memref<32x2048xf32, #tpu.memory_space<hbm>>
    tpu.enqueue_dma source(%dma_start3A_150 : memref<32x2048xf32, #tpu.memory_space<hbm>>) target(%dma_start3A_148 : memref<32x2048xf32, #tpu.memory_space<vmem>>) target_semaphore(%dma_start3A_144 : memref<!tpu.dma_semaphore, #tpu.memory_space<semaphore_mem>>)
    %add3A_151 = arith.constant 64 : i32
    %add3A_152 = arith.addi %mul3A_2, %add3A_151 : i32
    %dma_wait3A_153 = arith.constant 0 : i32
    %dma_wait3A_154 = arith.constant 0 : i32
    %dma_wait3A_155 = tpu.memref_slice %arg6[%dma_wait3A_154] : memref<2x!tpu.dma_semaphore, #tpu.memory_space<semaphore_mem>> -> memref<1x!tpu.dma_semaphore, #tpu.memory_space<semaphore_mem>>
    %dma_wait3A_156 = tpu.memref_squeeze %dma_wait3A_155 : memref<1x!tpu.dma_semaphore, #tpu.memory_space<semaphore_mem>> -> memref<!tpu.dma_semaphore, #tpu.memory_space<semaphore_mem>>
    %dma_wait3A_157 = arith.constant 0 : i32
    %dma_wait3A_158 = arith.constant 0 : i32
    %dma_wait3A_159 = tpu.memref_slice %arg4[%arg1, %dma_wait3A_153, %dma_wait3A_157, %dma_wait3A_158] : memref<16x1x32x2048xf32, #tpu.memory_space<vmem_shared>> -> memref<1x1x32x2048xf32, #tpu.memory_space<vmem_shared>>
    %dma_wait3A_160 = tpu.memref_squeeze %dma_wait3A_159 : memref<1x1x32x2048xf32, #tpu.memory_space<vmem_shared>> -> memref<32x2048xf32, #tpu.memory_space<vmem_shared>>
    %dma_wait3A_161 = arith.constant 0 : i32
    %dma_wait3A_162 = tpu.memref_slice %arg2[%add3A_152, %dma_wait3A_161] : memref<16384x2048xf32, #tpu.memory_space<hbm>> -> memref<32x2048xf32, #tpu.memory_space<hbm>>
    tpu.wait_dma2 semaphore(%dma_wait3A_156 : memref<!tpu.dma_semaphore, #tpu.memory_space<semaphore_mem>>) src(%dma_wait3A_162 : memref<32x2048xf32, #tpu.memory_space<hbm>>) dst(%dma_wait3A_160 : memref<32x2048xf32, #tpu.memory_space<vmem_shared>>)
    %add3A_163 = arith.constant 64 : i32
    %add3A_164 = arith.addi %mul3A_2, %add3A_163 : i32
    %dma_start3A_165 = arith.constant 0 : i32
    %dma_start3A_166 = arith.constant 0 : i32
    %dma_start3A_167 = tpu.memref_slice %arg7[%dma_start3A_166] : memref<2x!tpu.dma_semaphore, #tpu.memory_space<semaphore_mem>> -> memref<1x!tpu.dma_semaphore, #tpu.memory_space<semaphore_mem>>
    %dma_start3A_168 = tpu.memref_squeeze %dma_start3A_167 : memref<1x!tpu.dma_semaphore, #tpu.memory_space<semaphore_mem>> -> memref<!tpu.dma_semaphore, #tpu.memory_space<semaphore_mem>>
    %dma_start3A_169 = arith.constant 0 : i32
    %dma_start3A_170 = tpu.memref_slice %arg3[%add3A_164, %dma_start3A_169] : memref<16384x2048xf32, #tpu.memory_space<hbm>> -> memref<32x2048xf32, #tpu.memory_space<hbm>>
    %dma_start3A_171 = arith.constant 0 : i32
    %dma_start3A_172 = arith.constant 0 : i32
    %dma_start3A_173 = tpu.memref_slice %arg4[%arg1, %dma_start3A_165, %dma_start3A_171, %dma_start3A_172] : memref<16x1x32x2048xf32, #tpu.memory_space<vmem_shared>> -> memref<1x1x32x2048xf32, #tpu.memory_space<vmem_shared>>
    %dma_start3A_174 = tpu.memref_squeeze %dma_start3A_173 : memref<1x1x32x2048xf32, #tpu.memory_space<vmem_shared>> -> memref<32x2048xf32, #tpu.memory_space<vmem_shared>>
    tpu.enqueue_dma source(%dma_start3A_174 : memref<32x2048xf32, #tpu.memory_space<vmem_shared>>) target(%dma_start3A_170 : memref<32x2048xf32, #tpu.memory_space<hbm>>) target_semaphore(%dma_start3A_168 : memref<!tpu.dma_semaphore, #tpu.memory_space<semaphore_mem>>)
    %add3A_175 = arith.constant 64 : i32
    %add3A_176 = arith.addi %mul3A_2, %add3A_175 : i32
    %dma_wait3A_177 = arith.constant 0 : i32
    %dma_wait3A_178 = arith.constant 0 : i32
    %dma_wait3A_179 = tpu.memref_slice %arg7[%dma_wait3A_178] : memref<2x!tpu.dma_semaphore, #tpu.memory_space<semaphore_mem>> -> memref<1x!tpu.dma_semaphore, #tpu.memory_space<semaphore_mem>>
    %dma_wait3A_180 = tpu.memref_squeeze %dma_wait3A_179 : memref<1x!tpu.dma_semaphore, #tpu.memory_space<semaphore_mem>> -> memref<!tpu.dma_semaphore, #tpu.memory_space<semaphore_mem>>
    %dma_wait3A_181 = arith.constant 0 : i32
    %dma_wait3A_182 = tpu.memref_slice %arg3[%add3A_176, %dma_wait3A_181] : memref<16384x2048xf32, #tpu.memory_space<hbm>> -> memref<32x2048xf32, #tpu.memory_space<hbm>>
    %dma_wait3A_183 = arith.constant 0 : i32
    %dma_wait3A_184 = arith.constant 0 : i32
    %dma_wait3A_185 = tpu.memref_slice %arg4[%arg1, %dma_wait3A_177, %dma_wait3A_183, %dma_wait3A_184] : memref<16x1x32x2048xf32, #tpu.memory_space<vmem_shared>> -> memref<1x1x32x2048xf32, #tpu.memory_space<vmem_shared>>
    %dma_wait3A_186 = tpu.memref_squeeze %dma_wait3A_185 : memref<1x1x32x2048xf32, #tpu.memory_space<vmem_shared>> -> memref<32x2048xf32, #tpu.memory_space<vmem_shared>>
    tpu.wait_dma2 semaphore(%dma_wait3A_180 : memref<!tpu.dma_semaphore, #tpu.memory_space<semaphore_mem>>) src(%dma_wait3A_186 : memref<32x2048xf32, #tpu.memory_space<vmem_shared>>) dst(%dma_wait3A_182 : memref<32x2048xf32, #tpu.memory_space<hbm>>)
    %add3A_187 = arith.constant 128 : i32
    %add3A_188 = arith.addi %mul3A_2, %add3A_187 : i32
    %dma_start3A_189 = arith.constant 0 : i32
    %dma_start3A_190 = arith.constant 0 : i32
    %dma_start3A_191 = tpu.memref_slice %arg6[%dma_start3A_190] : memref<2x!tpu.dma_semaphore, #tpu.memory_space<semaphore_mem>> -> memref<1x!tpu.dma_semaphore, #tpu.memory_space<semaphore_mem>>
    %dma_start3A_192 = tpu.memref_squeeze %dma_start3A_191 : memref<1x!tpu.dma_semaphore, #tpu.memory_space<semaphore_mem>> -> memref<!tpu.dma_semaphore, #tpu.memory_space<semaphore_mem>>
    %dma_start3A_193 = arith.constant 0 : i32
    %dma_start3A_194 = arith.constant 0 : i32
    %dma_start3A_195 = tpu.memref_slice %arg4[%arg1, %dma_start3A_189, %dma_start3A_193, %dma_start3A_194] : memref<16x1x32x2048xf32, #tpu.memory_space<vmem_shared>> -> memref<1x1x32x2048xf32, #tpu.memory_space<vmem_shared>>
    %dma_start3A_196 = tpu.memref_squeeze %dma_start3A_195 : memref<1x1x32x2048xf32, #tpu.memory_space<vmem_shared>> -> memref<32x2048xf32, #tpu.memory_space<vmem_shared>>
    %dma_start3A_197 = arith.constant 0 : i32
    %dma_start3A_198 = tpu.memref_slice %arg2[%add3A_188, %dma_start3A_197] : memref<16384x2048xf32, #tpu.memory_space<hbm>> -> memref<32x2048xf32, #tpu.memory_space<hbm>>
    tpu.enqueue_dma source(%dma_start3A_198 : memref<32x2048xf32, #tpu.memory_space<hbm>>) target(%dma_start3A_196 : memref<32x2048xf32, #tpu.memory_space<vmem_shared>>) target_semaphore(%dma_start3A_192 : memref<!tpu.dma_semaphore, #tpu.memory_space<semaphore_mem>>)
    %add3A_199 = arith.constant 96 : i32
    %add3A_200 = arith.addi %mul3A_2, %add3A_199 : i32
    %dma_wait3A_201 = arith.constant 0 : i32
    %dma_wait3A_202 = arith.constant 1 : i32
    %dma_wait3A_203 = arith.constant 0 : i32
    %dma_wait3A_204 = arith.constant 0 : i32
    %dma_wait3A_205 = tpu.memref_slice %arg5[%dma_wait3A_201, %dma_wait3A_203, %dma_wait3A_204] : memref<1x32x2048xf32, #tpu.memory_space<vmem>> -> memref<1x32x2048xf32, #tpu.memory_space<vmem>>
    %dma_wait3A_206 = tpu.memref_squeeze %dma_wait3A_205 : memref<1x32x2048xf32, #tpu.memory_space<vmem>> -> memref<32x2048xf32, #tpu.memory_space<vmem>>
    %dma_wait3A_207 = arith.constant 0 : i32
    %dma_wait3A_208 = tpu.memref_slice %arg2[%add3A_200, %dma_wait3A_207] : memref<16384x2048xf32, #tpu.memory_space<hbm>> -> memref<32x2048xf32, #tpu.memory_space<hbm>>
    %dma_wait3A_209 = tpu.memref_slice %arg6[%dma_wait3A_202] : memref<2x!tpu.dma_semaphore, #tpu.memory_space<semaphore_mem>> -> memref<1x!tpu.dma_semaphore, #tpu.memory_space<semaphore_mem>>
    %dma_wait3A_210 = tpu.memref_squeeze %dma_wait3A_209 : memref<1x!tpu.dma_semaphore, #tpu.memory_space<semaphore_mem>> -> memref<!tpu.dma_semaphore, #tpu.memory_space<semaphore_mem>>
    %dma_wait3A_211 = arith.constant 0 : i32
    %dma_wait3A_212 = arith.constant 0 : i32
    %dma_wait3A_213 = tpu.memref_slice %arg5[%dma_wait3A_201, %dma_wait3A_211, %dma_wait3A_212] : memref<1x32x2048xf32, #tpu.memory_space<vmem>> -> memref<1x32x2048xf32, #tpu.memory_space<vmem>>
    %dma_wait3A_214 = tpu.memref_squeeze %dma_wait3A_213 : memref<1x32x2048xf32, #tpu.memory_space<vmem>> -> memref<32x2048xf32, #tpu.memory_space<vmem>>
    %dma_wait3A_215 = arith.constant 0 : i32
    %dma_wait3A_216 = tpu.memref_slice %arg2[%add3A_200, %dma_wait3A_215] : memref<16384x2048xf32, #tpu.memory_space<hbm>> -> memref<32x2048xf32, #tpu.memory_space<hbm>>
    tpu.wait_dma2 semaphore(%dma_wait3A_210 : memref<!tpu.dma_semaphore, #tpu.memory_space<semaphore_mem>>) src(%dma_wait3A_216 : memref<32x2048xf32, #tpu.memory_space<hbm>>) dst(%dma_wait3A_214 : memref<32x2048xf32, #tpu.memory_space<vmem>>)
    %add3A_217 = arith.constant 96 : i32
    %add3A_218 = arith.addi %mul3A_2, %add3A_217 : i32
    %dma_start3A_219 = arith.constant 0 : i32
    %dma_start3A_220 = arith.constant 1 : i32
    %dma_start3A_221 = arith.constant 0 : i32
    %dma_start3A_222 = arith.constant 0 : i32
    %dma_start3A_223 = tpu.memref_slice %arg5[%dma_start3A_219, %dma_start3A_221, %dma_start3A_222] : memref<1x32x2048xf32, #tpu.memory_space<vmem>> -> memref<1x32x2048xf32, #tpu.memory_space<vmem>>
    %dma_start3A_224 = tpu.memref_squeeze %dma_start3A_223 : memref<1x32x2048xf32, #tpu.memory_space<vmem>> -> memref<32x2048xf32, #tpu.memory_space<vmem>>
    %dma_start3A_225 = arith.constant 0 : i32
    %dma_start3A_226 = tpu.memref_slice %arg3[%add3A_218, %dma_start3A_225] : memref<16384x2048xf32, #tpu.memory_space<hbm>> -> memref<32x2048xf32, #tpu.memory_space<hbm>>
    %dma_start3A_227 = tpu.memref_slice %arg7[%dma_start3A_220] : memref<2x!tpu.dma_semaphore, #tpu.memory_space<semaphore_mem>> -> memref<1x!tpu.dma_semaphore, #tpu.memory_space<semaphore_mem>>
    %dma_start3A_228 = tpu.memref_squeeze %dma_start3A_227 : memref<1x!tpu.dma_semaphore, #tpu.memory_space<semaphore_mem>> -> memref<!tpu.dma_semaphore, #tpu.memory_space<semaphore_mem>>
    %dma_start3A_229 = arith.constant 0 : i32
    %dma_start3A_230 = tpu.memref_slice %arg3[%add3A_218, %dma_start3A_229] : memref<16384x2048xf32, #tpu.memory_space<hbm>> -> memref<32x2048xf32, #tpu.memory_space<hbm>>
    %dma_start3A_231 = arith.constant 0 : i32
    %dma_start3A_232 = arith.constant 0 : i32
    %dma_start3A_233 = tpu.memref_slice %arg5[%dma_start3A_219, %dma_start3A_231, %dma_start3A_232] : memref<1x32x2048xf32, #tpu.memory_space<vmem>> -> memref<1x32x2048xf32, #tpu.memory_space<vmem>>
    %dma_start3A_234 = tpu.memref_squeeze %dma_start3A_233 : memref<1x32x2048xf32, #tpu.memory_space<vmem>> -> memref<32x2048xf32, #tpu.memory_space<vmem>>
    tpu.enqueue_dma source(%dma_start3A_234 : memref<32x2048xf32, #tpu.memory_space<vmem>>) target(%dma_start3A_230 : memref<32x2048xf32, #tpu.memory_space<hbm>>) target_semaphore(%dma_start3A_228 : memref<!tpu.dma_semaphore, #tpu.memory_space<semaphore_mem>>)
    %add3A_235 = arith.constant 96 : i32
    %add3A_236 = arith.addi %mul3A_2, %add3A_235 : i32
    %dma_wait3A_237 = arith.constant 0 : i32
    %dma_wait3A_238 = arith.constant 1 : i32
    %dma_wait3A_239 = arith.constant 0 : i32
    %dma_wait3A_240 = arith.constant 0 : i32
    %dma_wait3A_241 = tpu.memref_slice %arg5[%dma_wait3A_237, %dma_wait3A_239, %dma_wait3A_240] : memref<1x32x2048xf32, #tpu.memory_space<vmem>> -> memref<1x32x2048xf32, #tpu.memory_space<vmem>>
    %dma_wait3A_242 = tpu.memref_squeeze %dma_wait3A_241 : memref<1x32x2048xf32, #tpu.memory_space<vmem>> -> memref<32x2048xf32, #tpu.memory_space<vmem>>
    %dma_wait3A_243 = arith.constant 0 : i32
    %dma_wait3A_244 = tpu.memref_slice %arg3[%add3A_236, %dma_wait3A_243] : memref<16384x2048xf32, #tpu.memory_space<hbm>> -> memref<32x2048xf32, #tpu.memory_space<hbm>>
    %dma_wait3A_245 = tpu.memref_slice %arg7[%dma_wait3A_238] : memref<2x!tpu.dma_semaphore, #tpu.memory_space<semaphore_mem>> -> memref<1x!tpu.dma_semaphore, #tpu.memory_space<semaphore_mem>>
    %dma_wait3A_246 = tpu.memref_squeeze %dma_wait3A_245 : memref<1x!tpu.dma_semaphore, #tpu.memory_space<semaphore_mem>> -> memref<!tpu.dma_semaphore, #tpu.memory_space<semaphore_mem>>
    %dma_wait3A_247 = arith.constant 0 : i32
    %dma_wait3A_248 = tpu.memref_slice %arg3[%add3A_236, %dma_wait3A_247] : memref<16384x2048xf32, #tpu.memory_space<hbm>> -> memref<32x2048xf32, #tpu.memory_space<hbm>>
    %dma_wait3A_249 = arith.constant 0 : i32
    %dma_wait3A_250 = arith.constant 0 : i32
    %dma_wait3A_251 = tpu.memref_slice %arg5[%dma_wait3A_237, %dma_wait3A_249, %dma_wait3A_250] : memref<1x32x2048xf32, #tpu.memory_space<vmem>> -> memref<1x32x2048xf32, #tpu.memory_space<vmem>>
    %dma_wait3A_252 = tpu.memref_squeeze %dma_wait3A_251 : memref<1x32x2048xf32, #tpu.memory_space<vmem>> -> memref<32x2048xf32, #tpu.memory_space<vmem>>
    tpu.wait_dma2 semaphore(%dma_wait3A_246 : memref<!tpu.dma_semaphore, #tpu.memory_space<semaphore_mem>>) src(%dma_wait3A_252 : memref<32x2048xf32, #tpu.memory_space<vmem>>) dst(%dma_wait3A_248 : memref<32x2048xf32, #tpu.memory_space<hbm>>)
    %add3A_253 = arith.constant 160 : i32
    %add3A_254 = arith.addi %mul3A_2, %add3A_253 : i32
    %dma_start3A_255 = arith.constant 0 : i32
    %dma_start3A_256 = arith.constant 1 : i32
    %dma_start3A_257 = arith.constant 0 : i32
    %dma_start3A_258 = arith.constant 0 : i32
    %dma_start3A_259 = tpu.memref_slice %arg5[%dma_start3A_255, %dma_start3A_257, %dma_start3A_258] : memref<1x32x2048xf32, #tpu.memory_space<vmem>> -> memref<1x32x2048xf32, #tpu.memory_space<vmem>>
    %dma_start3A_260 = tpu.memref_squeeze %dma_start3A_259 : memref<1x32x2048xf32, #tpu.memory_space<vmem>> -> memref<32x2048xf32, #tpu.memory_space<vmem>>
    %dma_start3A_261 = arith.constant 0 : i32
    %dma_start3A_262 = tpu.memref_slice %arg2[%add3A_254, %dma_start3A_261] : memref<16384x2048xf32, #tpu.memory_space<hbm>> -> memref<32x2048xf32, #tpu.memory_space<hbm>>
    %dma_start3A_263 = tpu.memref_slice %arg6[%dma_start3A_256] : memref<2x!tpu.dma_semaphore, #tpu.memory_space<semaphore_mem>> -> memref<1x!tpu.dma_semaphore, #tpu.memory_space<semaphore_mem>>
    %dma_start3A_264 = tpu.memref_squeeze %dma_start3A_263 : memref<1x!tpu.dma_semaphore, #tpu.memory_space<semaphore_mem>> -> memref<!tpu.dma_semaphore, #tpu.memory_space<semaphore_mem>>
    %dma_start3A_265 = arith.constant 0 : i32
    %dma_start3A_266 = arith.constant 0 : i32
    %dma_start3A_267 = tpu.memref_slice %arg5[%dma_start3A_255, %dma_start3A_265, %dma_start3A_266] : memref<1x32x2048xf32, #tpu.memory_space<vmem>> -> memref<1x32x2048xf32, #tpu.memory_space<vmem>>
    %dma_start3A_268 = tpu.memref_squeeze %dma_start3A_267 : memref<1x32x2048xf32, #tpu.memory_space<vmem>> -> memref<32x2048xf32, #tpu.memory_space<vmem>>
    %dma_start3A_269 = arith.constant 0 : i32
    %dma_start3A_270 = tpu.memref_slice %arg2[%add3A_254, %dma_start3A_269] : memref<16384x2048xf32, #tpu.memory_space<hbm>> -> memref<32x2048xf32, #tpu.memory_space<hbm>>
    tpu.enqueue_dma source(%dma_start3A_270 : memref<32x2048xf32, #tpu.memory_space<hbm>>) target(%dma_start3A_268 : memref<32x2048xf32, #tpu.memory_space<vmem>>) target_semaphore(%dma_start3A_264 : memref<!tpu.dma_semaphore, #tpu.memory_space<semaphore_mem>>)
    %add3A_271 = arith.constant 128 : i32
    %add3A_272 = arith.addi %mul3A_2, %add3A_271 : i32
    %dma_wait3A_273 = arith.constant 0 : i32
    %dma_wait3A_274 = arith.constant 0 : i32
    %dma_wait3A_275 = tpu.memref_slice %arg6[%dma_wait3A_274] : memref<2x!tpu.dma_semaphore, #tpu.memory_space<semaphore_mem>> -> memref<1x!tpu.dma_semaphore, #tpu.memory_space<semaphore_mem>>
    %dma_wait3A_276 = tpu.memref_squeeze %dma_wait3A_275 : memref<1x!tpu.dma_semaphore, #tpu.memory_space<semaphore_mem>> -> memref<!tpu.dma_semaphore, #tpu.memory_space<semaphore_mem>>
    %dma_wait3A_277 = arith.constant 0 : i32
    %dma_wait3A_278 = arith.constant 0 : i32
    %dma_wait3A_279 = tpu.memref_slice %arg4[%arg1, %dma_wait3A_273, %dma_wait3A_277, %dma_wait3A_278] : memref<16x1x32x2048xf32, #tpu.memory_space<vmem_shared>> -> memref<1x1x32x2048xf32, #tpu.memory_space<vmem_shared>>
    %dma_wait3A_280 = tpu.memref_squeeze %dma_wait3A_279 : memref<1x1x32x2048xf32, #tpu.memory_space<vmem_shared>> -> memref<32x2048xf32, #tpu.memory_space<vmem_shared>>
    %dma_wait3A_281 = arith.constant 0 : i32
    %dma_wait3A_282 = tpu.memref_slice %arg2[%add3A_272, %dma_wait3A_281] : memref<16384x2048xf32, #tpu.memory_space<hbm>> -> memref<32x2048xf32, #tpu.memory_space<hbm>>
    tpu.wait_dma2 semaphore(%dma_wait3A_276 : memref<!tpu.dma_semaphore, #tpu.memory_space<semaphore_mem>>) src(%dma_wait3A_282 : memref<32x2048xf32, #tpu.memory_space<hbm>>) dst(%dma_wait3A_280 : memref<32x2048xf32, #tpu.memory_space<vmem_shared>>)
    %add3A_283 = arith.constant 128 : i32
    %add3A_284 = arith.addi %mul3A_2, %add3A_283 : i32
    %dma_start3A_285 = arith.constant 0 : i32
    %dma_start3A_286 = arith.constant 0 : i32
    %dma_start3A_287 = tpu.memref_slice %arg7[%dma_start3A_286] : memref<2x!tpu.dma_semaphore, #tpu.memory_space<semaphore_mem>> -> memref<1x!tpu.dma_semaphore, #tpu.memory_space<semaphore_mem>>
    %dma_start3A_288 = tpu.memref_squeeze %dma_start3A_287 : memref<1x!tpu.dma_semaphore, #tpu.memory_space<semaphore_mem>> -> memref<!tpu.dma_semaphore, #tpu.memory_space<semaphore_mem>>
    %dma_start3A_289 = arith.constant 0 : i32
    %dma_start3A_290 = tpu.memref_slice %arg3[%add3A_284, %dma_start3A_289] : memref<16384x2048xf32, #tpu.memory_space<hbm>> -> memref<32x2048xf32, #tpu.memory_space<hbm>>
    %dma_start3A_291 = arith.constant 0 : i32
    %dma_start3A_292 = arith.constant 0 : i32
    %dma_start3A_293 = tpu.memref_slice %arg4[%arg1, %dma_start3A_285, %dma_start3A_291, %dma_start3A_292] : memref<16x1x32x2048xf32, #tpu.memory_space<vmem_shared>> -> memref<1x1x32x2048xf32, #tpu.memory_space<vmem_shared>>
    %dma_start3A_294 = tpu.memref_squeeze %dma_start3A_293 : memref<1x1x32x2048xf32, #tpu.memory_space<vmem_shared>> -> memref<32x2048xf32, #tpu.memory_space<vmem_shared>>
    tpu.enqueue_dma source(%dma_start3A_294 : memref<32x2048xf32, #tpu.memory_space<vmem_shared>>) target(%dma_start3A_290 : memref<32x2048xf32, #tpu.memory_space<hbm>>) target_semaphore(%dma_start3A_288 : memref<!tpu.dma_semaphore, #tpu.memory_space<semaphore_mem>>)
    %add3A_295 = arith.constant 128 : i32
    %add3A_296 = arith.addi %mul3A_2, %add3A_295 : i32
    %dma_wait3A_297 = arith.constant 0 : i32
    %dma_wait3A_298 = arith.constant 0 : i32
    %dma_wait3A_299 = tpu.memref_slice %arg7[%dma_wait3A_298] : memref<2x!tpu.dma_semaphore, #tpu.memory_space<semaphore_mem>> -> memref<1x!tpu.dma_semaphore, #tpu.memory_space<semaphore_mem>>
    %dma_wait3A_300 = tpu.memref_squeeze %dma_wait3A_299 : memref<1x!tpu.dma_semaphore, #tpu.memory_space<semaphore_mem>> -> memref<!tpu.dma_semaphore, #tpu.memory_space<semaphore_mem>>
    %dma_wait3A_301 = arith.constant 0 : i32
    %dma_wait3A_302 = tpu.memref_slice %arg3[%add3A_296, %dma_wait3A_301] : memref<16384x2048xf32, #tpu.memory_space<hbm>> -> memref<32x2048xf32, #tpu.memory_space<hbm>>
    %dma_wait3A_303 = arith.constant 0 : i32
    %dma_wait3A_304 = arith.constant 0 : i32
    %dma_wait3A_305 = tpu.memref_slice %arg4[%arg1, %dma_wait3A_297, %dma_wait3A_303, %dma_wait3A_304] : memref<16x1x32x2048xf32, #tpu.memory_space<vmem_shared>> -> memref<1x1x32x2048xf32, #tpu.memory_space<vmem_shared>>
    %dma_wait3A_306 = tpu.memref_squeeze %dma_wait3A_305 : memref<1x1x32x2048xf32, #tpu.memory_space<vmem_shared>> -> memref<32x2048xf32, #tpu.memory_space<vmem_shared>>
    tpu.wait_dma2 semaphore(%dma_wait3A_300 : memref<!tpu.dma_semaphore, #tpu.memory_space<semaphore_mem>>) src(%dma_wait3A_306 : memref<32x2048xf32, #tpu.memory_space<vmem_shared>>) dst(%dma_wait3A_302 : memref<32x2048xf32, #tpu.memory_space<hbm>>)
    %add3A_307 = arith.constant 192 : i32
    %add3A_308 = arith.addi %mul3A_2, %add3A_307 : i32
    %dma_start3A_309 = arith.constant 0 : i32
    %dma_start3A_310 = arith.constant 0 : i32
    %dma_start3A_311 = tpu.memref_slice %arg6[%dma_start3A_310] : memref<2x!tpu.dma_semaphore, #tpu.memory_space<semaphore_mem>> -> memref<1x!tpu.dma_semaphore, #tpu.memory_space<semaphore_mem>>
    %dma_start3A_312 = tpu.memref_squeeze %dma_start3A_311 : memref<1x!tpu.dma_semaphore, #tpu.memory_space<semaphore_mem>> -> memref<!tpu.dma_semaphore, #tpu.memory_space<semaphore_mem>>
    %dma_start3A_313 = arith.constant 0 : i32
    %dma_start3A_314 = arith.constant 0 : i32
    %dma_start3A_315 = tpu.memref_slice %arg4[%arg1, %dma_start3A_309, %dma_start3A_313, %dma_start3A_314] : memref<16x1x32x2048xf32, #tpu.memory_space<vmem_shared>> -> memref<1x1x32x2048xf32, #tpu.memory_space<vmem_shared>>
    %dma_start3A_316 = tpu.memref_squeeze %dma_start3A_315 : memref<1x1x32x2048xf32, #tpu.memory_space<vmem_shared>> -> memref<32x2048xf32, #tpu.memory_space<vmem_shared>>
    %dma_start3A_317 = arith.constant 0 : i32
    %dma_start3A_318 = tpu.memref_slice %arg2[%add3A_308, %dma_start3A_317] : memref<16384x2048xf32, #tpu.memory_space<hbm>> -> memref<32x2048xf32, #tpu.memory_space<hbm>>
    tpu.enqueue_dma source(%dma_start3A_318 : memref<32x2048xf32, #tpu.memory_space<hbm>>) target(%dma_start3A_316 : memref<32x2048xf32, #tpu.memory_space<vmem_shared>>) target_semaphore(%dma_start3A_312 : memref<!tpu.dma_semaphore, #tpu.memory_space<semaphore_mem>>)
    %add3A_319 = arith.constant 160 : i32
    %add3A_320 = arith.addi %mul3A_2, %add3A_319 : i32
    %dma_wait3A_321 = arith.constant 0 : i32
    %dma_wait3A_322 = arith.constant 1 : i32
    %dma_wait3A_323 = arith.constant 0 : i32
    %dma_wait3A_324 = arith.constant 0 : i32
    %dma_wait3A_325 = tpu.memref_slice %arg5[%dma_wait3A_321, %dma_wait3A_323, %dma_wait3A_324] : memref<1x32x2048xf32, #tpu.memory_space<vmem>> -> memref<1x32x2048xf32, #tpu.memory_space<vmem>>
    %dma_wait3A_326 = tpu.memref_squeeze %dma_wait3A_325 : memref<1x32x2048xf32, #tpu.memory_space<vmem>> -> memref<32x2048xf32, #tpu.memory_space<vmem>>
    %dma_wait3A_327 = arith.constant 0 : i32
    %dma_wait3A_328 = tpu.memref_slice %arg2[%add3A_320, %dma_wait3A_327] : memref<16384x2048xf32, #tpu.memory_space<hbm>> -> memref<32x2048xf32, #tpu.memory_space<hbm>>
    %dma_wait3A_329 = tpu.memref_slice %arg6[%dma_wait3A_322] : memref<2x!tpu.dma_semaphore, #tpu.memory_space<semaphore_mem>> -> memref<1x!tpu.dma_semaphore, #tpu.memory_space<semaphore_mem>>
    %dma_wait3A_330 = tpu.memref_squeeze %dma_wait3A_329 : memref<1x!tpu.dma_semaphore, #tpu.memory_space<semaphore_mem>> -> memref<!tpu.dma_semaphore, #tpu.memory_space<semaphore_mem>>
    %dma_wait3A_331 = arith.constant 0 : i32
    %dma_wait3A_332 = arith.constant 0 : i32
    %dma_wait3A_333 = tpu.memref_slice %arg5[%dma_wait3A_321, %dma_wait3A_331, %dma_wait3A_332] : memref<1x32x2048xf32, #tpu.memory_space<vmem>> -> memref<1x32x2048xf32, #tpu.memory_space<vmem>>
    %dma_wait3A_334 = tpu.memref_squeeze %dma_wait3A_333 : memref<1x32x2048xf32, #tpu.memory_space<vmem>> -> memref<32x2048xf32, #tpu.memory_space<vmem>>
    %dma_wait3A_335 = arith.constant 0 : i32
    %dma_wait3A_336 = tpu.memref_slice %arg2[%add3A_320, %dma_wait3A_335] : memref<16384x2048xf32, #tpu.memory_space<hbm>> -> memref<32x2048xf32, #tpu.memory_space<hbm>>
    tpu.wait_dma2 semaphore(%dma_wait3A_330 : memref<!tpu.dma_semaphore, #tpu.memory_space<semaphore_mem>>) src(%dma_wait3A_336 : memref<32x2048xf32, #tpu.memory_space<hbm>>) dst(%dma_wait3A_334 : memref<32x2048xf32, #tpu.memory_space<vmem>>)
    %add3A_337 = arith.constant 160 : i32
    %add3A_338 = arith.addi %mul3A_2, %add3A_337 : i32
    %dma_start3A_339 = arith.constant 0 : i32
    %dma_start3A_340 = arith.constant 1 : i32
    %dma_start3A_341 = arith.constant 0 : i32
    %dma_start3A_342 = arith.constant 0 : i32
    %dma_start3A_343 = tpu.memref_slice %arg5[%dma_start3A_339, %dma_start3A_341, %dma_start3A_342] : memref<1x32x2048xf32, #tpu.memory_space<vmem>> -> memref<1x32x2048xf32, #tpu.memory_space<vmem>>
    %dma_start3A_344 = tpu.memref_squeeze %dma_start3A_343 : memref<1x32x2048xf32, #tpu.memory_space<vmem>> -> memref<32x2048xf32, #tpu.memory_space<vmem>>
    %dma_start3A_345 = arith.constant 0 : i32
    %dma_start3A_346 = tpu.memref_slice %arg3[%add3A_338, %dma_start3A_345] : memref<16384x2048xf32, #tpu.memory_space<hbm>> -> memref<32x2048xf32, #tpu.memory_space<hbm>>
    %dma_start3A_347 = tpu.memref_slice %arg7[%dma_start3A_340] : memref<2x!tpu.dma_semaphore, #tpu.memory_space<semaphore_mem>> -> memref<1x!tpu.dma_semaphore, #tpu.memory_space<semaphore_mem>>
    %dma_start3A_348 = tpu.memref_squeeze %dma_start3A_347 : memref<1x!tpu.dma_semaphore, #tpu.memory_space<semaphore_mem>> -> memref<!tpu.dma_semaphore, #tpu.memory_space<semaphore_mem>>
    %dma_start3A_349 = arith.constant 0 : i32
    %dma_start3A_350 = tpu.memref_slice %arg3[%add3A_338, %dma_start3A_349] : memref<16384x2048xf32, #tpu.memory_space<hbm>> -> memref<32x2048xf32, #tpu.memory_space<hbm>>
    %dma_start3A_351 = arith.constant 0 : i32
    %dma_start3A_352 = arith.constant 0 : i32
    %dma_start3A_353 = tpu.memref_slice %arg5[%dma_start3A_339, %dma_start3A_351, %dma_start3A_352] : memref<1x32x2048xf32, #tpu.memory_space<vmem>> -> memref<1x32x2048xf32, #tpu.memory_space<vmem>>
    %dma_start3A_354 = tpu.memref_squeeze %dma_start3A_353 : memref<1x32x2048xf32, #tpu.memory_space<vmem>> -> memref<32x2048xf32, #tpu.memory_space<vmem>>
    tpu.enqueue_dma source(%dma_start3A_354 : memref<32x2048xf32, #tpu.memory_space<vmem>>) target(%dma_start3A_350 : memref<32x2048xf32, #tpu.memory_space<hbm>>) target_semaphore(%dma_start3A_348 : memref<!tpu.dma_semaphore, #tpu.memory_space<semaphore_mem>>)
    %add3A_355 = arith.constant 160 : i32
    %add3A_356 = arith.addi %mul3A_2, %add3A_355 : i32
    %dma_wait3A_357 = arith.constant 0 : i32
    %dma_wait3A_358 = arith.constant 1 : i32
    %dma_wait3A_359 = arith.constant 0 : i32
    %dma_wait3A_360 = arith.constant 0 : i32
    %dma_wait3A_361 = tpu.memref_slice %arg5[%dma_wait3A_357, %dma_wait3A_359, %dma_wait3A_360] : memref<1x32x2048xf32, #tpu.memory_space<vmem>> -> memref<1x32x2048xf32, #tpu.memory_space<vmem>>
    %dma_wait3A_362 = tpu.memref_squeeze %dma_wait3A_361 : memref<1x32x2048xf32, #tpu.memory_space<vmem>> -> memref<32x2048xf32, #tpu.memory_space<vmem>>
    %dma_wait3A_363 = arith.constant 0 : i32
    %dma_wait3A_364 = tpu.memref_slice %arg3[%add3A_356, %dma_wait3A_363] : memref<16384x2048xf32, #tpu.memory_space<hbm>> -> memref<32x2048xf32, #tpu.memory_space<hbm>>
    %dma_wait3A_365 = tpu.memref_slice %arg7[%dma_wait3A_358] : memref<2x!tpu.dma_semaphore, #tpu.memory_space<semaphore_mem>> -> memref<1x!tpu.dma_semaphore, #tpu.memory_space<semaphore_mem>>
    %dma_wait3A_366 = tpu.memref_squeeze %dma_wait3A_365 : memref<1x!tpu.dma_semaphore, #tpu.memory_space<semaphore_mem>> -> memref<!tpu.dma_semaphore, #tpu.memory_space<semaphore_mem>>
    %dma_wait3A_367 = arith.constant 0 : i32
    %dma_wait3A_368 = tpu.memref_slice %arg3[%add3A_356, %dma_wait3A_367] : memref<16384x2048xf32, #tpu.memory_space<hbm>> -> memref<32x2048xf32, #tpu.memory_space<hbm>>
    %dma_wait3A_369 = arith.constant 0 : i32
    %dma_wait3A_370 = arith.constant 0 : i32
    %dma_wait3A_371 = tpu.memref_slice %arg5[%dma_wait3A_357, %dma_wait3A_369, %dma_wait3A_370] : memref<1x32x2048xf32, #tpu.memory_space<vmem>> -> memref<1x32x2048xf32, #tpu.memory_space<vmem>>
    %dma_wait3A_372 = tpu.memref_squeeze %dma_wait3A_371 : memref<1x32x2048xf32, #tpu.memory_space<vmem>> -> memref<32x2048xf32, #tpu.memory_space<vmem>>
    tpu.wait_dma2 semaphore(%dma_wait3A_366 : memref<!tpu.dma_semaphore, #tpu.memory_space<semaphore_mem>>) src(%dma_wait3A_372 : memref<32x2048xf32, #tpu.memory_space<vmem>>) dst(%dma_wait3A_368 : memref<32x2048xf32, #tpu.memory_space<hbm>>)
    %add3A_373 = arith.constant 224 : i32
    %add3A_374 = arith.addi %mul3A_2, %add3A_373 : i32
    %dma_start3A_375 = arith.constant 0 : i32
    %dma_start3A_376 = arith.constant 1 : i32
    %dma_start3A_377 = arith.constant 0 : i32
    %dma_start3A_378 = arith.constant 0 : i32
    %dma_start3A_379 = tpu.memref_slice %arg5[%dma_start3A_375, %dma_start3A_377, %dma_start3A_378] : memref<1x32x2048xf32, #tpu.memory_space<vmem>> -> memref<1x32x2048xf32, #tpu.memory_space<vmem>>
    %dma_start3A_380 = tpu.memref_squeeze %dma_start3A_379 : memref<1x32x2048xf32, #tpu.memory_space<vmem>> -> memref<32x2048xf32, #tpu.memory_space<vmem>>
    %dma_start3A_381 = arith.constant 0 : i32
    %dma_start3A_382 = tpu.memref_slice %arg2[%add3A_374, %dma_start3A_381] : memref<16384x2048xf32, #tpu.memory_space<hbm>> -> memref<32x2048xf32, #tpu.memory_space<hbm>>
    %dma_start3A_383 = tpu.memref_slice %arg6[%dma_start3A_376] : memref<2x!tpu.dma_semaphore, #tpu.memory_space<semaphore_mem>> -> memref<1x!tpu.dma_semaphore, #tpu.memory_space<semaphore_mem>>
    %dma_start3A_384 = tpu.memref_squeeze %dma_start3A_383 : memref<1x!tpu.dma_semaphore, #tpu.memory_space<semaphore_mem>> -> memref<!tpu.dma_semaphore, #tpu.memory_space<semaphore_mem>>
    %dma_start3A_385 = arith.constant 0 : i32
    %dma_start3A_386 = arith.constant 0 : i32
    %dma_start3A_387 = tpu.memref_slice %arg5[%dma_start3A_375, %dma_start3A_385, %dma_start3A_386] : memref<1x32x2048xf32, #tpu.memory_space<vmem>> -> memref<1x32x2048xf32, #tpu.memory_space<vmem>>
    %dma_start3A_388 = tpu.memref_squeeze %dma_start3A_387 : memref<1x32x2048xf32, #tpu.memory_space<vmem>> -> memref<32x2048xf32, #tpu.memory_space<vmem>>
    %dma_start3A_389 = arith.constant 0 : i32
    %dma_start3A_390 = tpu.memref_slice %arg2[%add3A_374, %dma_start3A_389] : memref<16384x2048xf32, #tpu.memory_space<hbm>> -> memref<32x2048xf32, #tpu.memory_space<hbm>>
    tpu.enqueue_dma source(%dma_start3A_390 : memref<32x2048xf32, #tpu.memory_space<hbm>>) target(%dma_start3A_388 : memref<32x2048xf32, #tpu.memory_space<vmem>>) target_semaphore(%dma_start3A_384 : memref<!tpu.dma_semaphore, #tpu.memory_space<semaphore_mem>>)
    %add3A_391 = arith.constant 192 : i32
    %add3A_392 = arith.addi %mul3A_2, %add3A_391 : i32
    %dma_wait3A_393 = arith.constant 0 : i32
    %dma_wait3A_394 = arith.constant 0 : i32
    %dma_wait3A_395 = tpu.memref_slice %arg6[%dma_wait3A_394] : memref<2x!tpu.dma_semaphore, #tpu.memory_space<semaphore_mem>> -> memref<1x!tpu.dma_semaphore, #tpu.memory_space<semaphore_mem>>
    %dma_wait3A_396 = tpu.memref_squeeze %dma_wait3A_395 : memref<1x!tpu.dma_semaphore, #tpu.memory_space<semaphore_mem>> -> memref<!tpu.dma_semaphore, #tpu.memory_space<semaphore_mem>>
    %dma_wait3A_397 = arith.constant 0 : i32
    %dma_wait3A_398 = arith.constant 0 : i32
    %dma_wait3A_399 = tpu.memref_slice %arg4[%arg1, %dma_wait3A_393, %dma_wait3A_397, %dma_wait3A_398] : memref<16x1x32x2048xf32, #tpu.memory_space<vmem_shared>> -> memref<1x1x32x2048xf32, #tpu.memory_space<vmem_shared>>
    %dma_wait3A_400 = tpu.memref_squeeze %dma_wait3A_399 : memref<1x1x32x2048xf32, #tpu.memory_space<vmem_shared>> -> memref<32x2048xf32, #tpu.memory_space<vmem_shared>>
    %dma_wait3A_401 = arith.constant 0 : i32
    %dma_wait3A_402 = tpu.memref_slice %arg2[%add3A_392, %dma_wait3A_401] : memref<16384x2048xf32, #tpu.memory_space<hbm>> -> memref<32x2048xf32, #tpu.memory_space<hbm>>
    tpu.wait_dma2 semaphore(%dma_wait3A_396 : memref<!tpu.dma_semaphore, #tpu.memory_space<semaphore_mem>>) src(%dma_wait3A_402 : memref<32x2048xf32, #tpu.memory_space<hbm>>) dst(%dma_wait3A_400 : memref<32x2048xf32, #tpu.memory_space<vmem_shared>>)
    %add3A_403 = arith.constant 192 : i32
    %add3A_404 = arith.addi %mul3A_2, %add3A_403 : i32
    %dma_start3A_405 = arith.constant 0 : i32
    %dma_start3A_406 = arith.constant 0 : i32
    %dma_start3A_407 = tpu.memref_slice %arg7[%dma_start3A_406] : memref<2x!tpu.dma_semaphore, #tpu.memory_space<semaphore_mem>> -> memref<1x!tpu.dma_semaphore, #tpu.memory_space<semaphore_mem>>
    %dma_start3A_408 = tpu.memref_squeeze %dma_start3A_407 : memref<1x!tpu.dma_semaphore, #tpu.memory_space<semaphore_mem>> -> memref<!tpu.dma_semaphore, #tpu.memory_space<semaphore_mem>>
    %dma_start3A_409 = arith.constant 0 : i32
    %dma_start3A_410 = tpu.memref_slice %arg3[%add3A_404, %dma_start3A_409] : memref<16384x2048xf32, #tpu.memory_space<hbm>> -> memref<32x2048xf32, #tpu.memory_space<hbm>>
    %dma_start3A_411 = arith.constant 0 : i32
    %dma_start3A_412 = arith.constant 0 : i32
    %dma_start3A_413 = tpu.memref_slice %arg4[%arg1, %dma_start3A_405, %dma_start3A_411, %dma_start3A_412] : memref<16x1x32x2048xf32, #tpu.memory_space<vmem_shared>> -> memref<1x1x32x2048xf32, #tpu.memory_space<vmem_shared>>
    %dma_start3A_414 = tpu.memref_squeeze %dma_start3A_413 : memref<1x1x32x2048xf32, #tpu.memory_space<vmem_shared>> -> memref<32x2048xf32, #tpu.memory_space<vmem_shared>>
    tpu.enqueue_dma source(%dma_start3A_414 : memref<32x2048xf32, #tpu.memory_space<vmem_shared>>) target(%dma_start3A_410 : memref<32x2048xf32, #tpu.memory_space<hbm>>) target_semaphore(%dma_start3A_408 : memref<!tpu.dma_semaphore, #tpu.memory_space<semaphore_mem>>)
    %add3A_415 = arith.constant 192 : i32
    %add3A_416 = arith.addi %mul3A_2, %add3A_415 : i32
    %dma_wait3A_417 = arith.constant 0 : i32
    %dma_wait3A_418 = arith.constant 0 : i32
    %dma_wait3A_419 = tpu.memref_slice %arg7[%dma_wait3A_418] : memref<2x!tpu.dma_semaphore, #tpu.memory_space<semaphore_mem>> -> memref<1x!tpu.dma_semaphore, #tpu.memory_space<semaphore_mem>>
    %dma_wait3A_420 = tpu.memref_squeeze %dma_wait3A_419 : memref<1x!tpu.dma_semaphore, #tpu.memory_space<semaphore_mem>> -> memref<!tpu.dma_semaphore, #tpu.memory_space<semaphore_mem>>
    %dma_wait3A_421 = arith.constant 0 : i32
    %dma_wait3A_422 = tpu.memref_slice %arg3[%add3A_416, %dma_wait3A_421] : memref<16384x2048xf32, #tpu.memory_space<hbm>> -> memref<32x2048xf32, #tpu.memory_space<hbm>>
    %dma_wait3A_423 = arith.constant 0 : i32
    %dma_wait3A_424 = arith.constant 0 : i32
    %dma_wait3A_425 = tpu.memref_slice %arg4[%arg1, %dma_wait3A_417, %dma_wait3A_423, %dma_wait3A_424] : memref<16x1x32x2048xf32, #tpu.memory_space<vmem_shared>> -> memref<1x1x32x2048xf32, #tpu.memory_space<vmem_shared>>
    %dma_wait3A_426 = tpu.memref_squeeze %dma_wait3A_425 : memref<1x1x32x2048xf32, #tpu.memory_space<vmem_shared>> -> memref<32x2048xf32, #tpu.memory_space<vmem_shared>>
    tpu.wait_dma2 semaphore(%dma_wait3A_420 : memref<!tpu.dma_semaphore, #tpu.memory_space<semaphore_mem>>) src(%dma_wait3A_426 : memref<32x2048xf32, #tpu.memory_space<vmem_shared>>) dst(%dma_wait3A_422 : memref<32x2048xf32, #tpu.memory_space<hbm>>)
    %add3A_427 = arith.constant 256 : i32
    %add3A_428 = arith.addi %mul3A_2, %add3A_427 : i32
    %dma_start3A_429 = arith.constant 0 : i32
    %dma_start3A_430 = arith.constant 0 : i32
    %dma_start3A_431 = tpu.memref_slice %arg6[%dma_start3A_430] : memref<2x!tpu.dma_semaphore, #tpu.memory_space<semaphore_mem>> -> memref<1x!tpu.dma_semaphore, #tpu.memory_space<semaphore_mem>>
    %dma_start3A_432 = tpu.memref_squeeze %dma_start3A_431 : memref<1x!tpu.dma_semaphore, #tpu.memory_space<semaphore_mem>> -> memref<!tpu.dma_semaphore, #tpu.memory_space<semaphore_mem>>
    %dma_start3A_433 = arith.constant 0 : i32
    %dma_start3A_434 = arith.constant 0 : i32
    %dma_start3A_435 = tpu.memref_slice %arg4[%arg1, %dma_start3A_429, %dma_start3A_433, %dma_start3A_434] : memref<16x1x32x2048xf32, #tpu.memory_space<vmem_shared>> -> memref<1x1x32x2048xf32, #tpu.memory_space<vmem_shared>>
    %dma_start3A_436 = tpu.memref_squeeze %dma_start3A_435 : memref<1x1x32x2048xf32, #tpu.memory_space<vmem_shared>> -> memref<32x2048xf32, #tpu.memory_space<vmem_shared>>
    %dma_start3A_437 = arith.constant 0 : i32
    %dma_start3A_438 = tpu.memref_slice %arg2[%add3A_428, %dma_start3A_437] : memref<16384x2048xf32, #tpu.memory_space<hbm>> -> memref<32x2048xf32, #tpu.memory_space<hbm>>
    tpu.enqueue_dma source(%dma_start3A_438 : memref<32x2048xf32, #tpu.memory_space<hbm>>) target(%dma_start3A_436 : memref<32x2048xf32, #tpu.memory_space<vmem_shared>>) target_semaphore(%dma_start3A_432 : memref<!tpu.dma_semaphore, #tpu.memory_space<semaphore_mem>>)
    %add3A_439 = arith.constant 224 : i32
    %add3A_440 = arith.addi %mul3A_2, %add3A_439 : i32
    %dma_wait3A_441 = arith.constant 0 : i32
    %dma_wait3A_442 = arith.constant 1 : i32
    %dma_wait3A_443 = arith.constant 0 : i32
    %dma_wait3A_444 = arith.constant 0 : i32
    %dma_wait3A_445 = tpu.memref_slice %arg5[%dma_wait3A_441, %dma_wait3A_443, %dma_wait3A_444] : memref<1x32x2048xf32, #tpu.memory_space<vmem>> -> memref<1x32x2048xf32, #tpu.memory_space<vmem>>
    %dma_wait3A_446 = tpu.memref_squeeze %dma_wait3A_445 : memref<1x32x2048xf32, #tpu.memory_space<vmem>> -> memref<32x2048xf32, #tpu.memory_space<vmem>>
    %dma_wait3A_447 = arith.constant 0 : i32
    %dma_wait3A_448 = tpu.memref_slice %arg2[%add3A_440, %dma_wait3A_447] : memref<16384x2048xf32, #tpu.memory_space<hbm>> -> memref<32x2048xf32, #tpu.memory_space<hbm>>
    %dma_wait3A_449 = tpu.memref_slice %arg6[%dma_wait3A_442] : memref<2x!tpu.dma_semaphore, #tpu.memory_space<semaphore_mem>> -> memref<1x!tpu.dma_semaphore, #tpu.memory_space<semaphore_mem>>
    %dma_wait3A_450 = tpu.memref_squeeze %dma_wait3A_449 : memref<1x!tpu.dma_semaphore, #tpu.memory_space<semaphore_mem>> -> memref<!tpu.dma_semaphore, #tpu.memory_space<semaphore_mem>>
    %dma_wait3A_451 = arith.constant 0 : i32
    %dma_wait3A_452 = arith.constant 0 : i32
    %dma_wait3A_453 = tpu.memref_slice %arg5[%dma_wait3A_441, %dma_wait3A_451, %dma_wait3A_452] : memref<1x32x2048xf32, #tpu.memory_space<vmem>> -> memref<1x32x2048xf32, #tpu.memory_space<vmem>>
    %dma_wait3A_454 = tpu.memref_squeeze %dma_wait3A_453 : memref<1x32x2048xf32, #tpu.memory_space<vmem>> -> memref<32x2048xf32, #tpu.memory_space<vmem>>
    %dma_wait3A_455 = arith.constant 0 : i32
    %dma_wait3A_456 = tpu.memref_slice %arg2[%add3A_440, %dma_wait3A_455] : memref<16384x2048xf32, #tpu.memory_space<hbm>> -> memref<32x2048xf32, #tpu.memory_space<hbm>>
    tpu.wait_dma2 semaphore(%dma_wait3A_450 : memref<!tpu.dma_semaphore, #tpu.memory_space<semaphore_mem>>) src(%dma_wait3A_456 : memref<32x2048xf32, #tpu.memory_space<hbm>>) dst(%dma_wait3A_454 : memref<32x2048xf32, #tpu.memory_space<vmem>>)
    %add3A_457 = arith.constant 224 : i32
    %add3A_458 = arith.addi %mul3A_2, %add3A_457 : i32
    %dma_start3A_459 = arith.constant 0 : i32
    %dma_start3A_460 = arith.constant 1 : i32
    %dma_start3A_461 = arith.constant 0 : i32
    %dma_start3A_462 = arith.constant 0 : i32
    %dma_start3A_463 = tpu.memref_slice %arg5[%dma_start3A_459, %dma_start3A_461, %dma_start3A_462] : memref<1x32x2048xf32, #tpu.memory_space<vmem>> -> memref<1x32x2048xf32, #tpu.memory_space<vmem>>
    %dma_start3A_464 = tpu.memref_squeeze %dma_start3A_463 : memref<1x32x2048xf32, #tpu.memory_space<vmem>> -> memref<32x2048xf32, #tpu.memory_space<vmem>>
    %dma_start3A_465 = arith.constant 0 : i32
    %dma_start3A_466 = tpu.memref_slice %arg3[%add3A_458, %dma_start3A_465] : memref<16384x2048xf32, #tpu.memory_space<hbm>> -> memref<32x2048xf32, #tpu.memory_space<hbm>>
    %dma_start3A_467 = tpu.memref_slice %arg7[%dma_start3A_460] : memref<2x!tpu.dma_semaphore, #tpu.memory_space<semaphore_mem>> -> memref<1x!tpu.dma_semaphore, #tpu.memory_space<semaphore_mem>>
    %dma_start3A_468 = tpu.memref_squeeze %dma_start3A_467 : memref<1x!tpu.dma_semaphore, #tpu.memory_space<semaphore_mem>> -> memref<!tpu.dma_semaphore, #tpu.memory_space<semaphore_mem>>
    %dma_start3A_469 = arith.constant 0 : i32
    %dma_start3A_470 = tpu.memref_slice %arg3[%add3A_458, %dma_start3A_469] : memref<16384x2048xf32, #tpu.memory_space<hbm>> -> memref<32x2048xf32, #tpu.memory_space<hbm>>
    %dma_start3A_471 = arith.constant 0 : i32
    %dma_start3A_472 = arith.constant 0 : i32
    %dma_start3A_473 = tpu.memref_slice %arg5[%dma_start3A_459, %dma_start3A_471, %dma_start3A_472] : memref<1x32x2048xf32, #tpu.memory_space<vmem>> -> memref<1x32x2048xf32, #tpu.memory_space<vmem>>
    %dma_start3A_474 = tpu.memref_squeeze %dma_start3A_473 : memref<1x32x2048xf32, #tpu.memory_space<vmem>> -> memref<32x2048xf32, #tpu.memory_space<vmem>>
    tpu.enqueue_dma source(%dma_start3A_474 : memref<32x2048xf32, #tpu.memory_space<vmem>>) target(%dma_start3A_470 : memref<32x2048xf32, #tpu.memory_space<hbm>>) target_semaphore(%dma_start3A_468 : memref<!tpu.dma_semaphore, #tpu.memory_space<semaphore_mem>>)
    %add3A_475 = arith.constant 224 : i32
    %add3A_476 = arith.addi %mul3A_2, %add3A_475 : i32
    %dma_wait3A_477 = arith.constant 0 : i32
    %dma_wait3A_478 = arith.constant 1 : i32
    %dma_wait3A_479 = arith.constant 0 : i32
    %dma_wait3A_480 = arith.constant 0 : i32
    %dma_wait3A_481 = tpu.memref_slice %arg5[%dma_wait3A_477, %dma_wait3A_479, %dma_wait3A_480] : memref<1x32x2048xf32, #tpu.memory_space<vmem>> -> memref<1x32x2048xf32, #tpu.memory_space<vmem>>
    %dma_wait3A_482 = tpu.memref_squeeze %dma_wait3A_481 : memref<1x32x2048xf32, #tpu.memory_space<vmem>> -> memref<32x2048xf32, #tpu.memory_space<vmem>>
    %dma_wait3A_483 = arith.constant 0 : i32
    %dma_wait3A_484 = tpu.memref_slice %arg3[%add3A_476, %dma_wait3A_483] : memref<16384x2048xf32, #tpu.memory_space<hbm>> -> memref<32x2048xf32, #tpu.memory_space<hbm>>
    %dma_wait3A_485 = tpu.memref_slice %arg7[%dma_wait3A_478] : memref<2x!tpu.dma_semaphore, #tpu.memory_space<semaphore_mem>> -> memref<1x!tpu.dma_semaphore, #tpu.memory_space<semaphore_mem>>
    %dma_wait3A_486 = tpu.memref_squeeze %dma_wait3A_485 : memref<1x!tpu.dma_semaphore, #tpu.memory_space<semaphore_mem>> -> memref<!tpu.dma_semaphore, #tpu.memory_space<semaphore_mem>>
    %dma_wait3A_487 = arith.constant 0 : i32
    %dma_wait3A_488 = tpu.memref_slice %arg3[%add3A_476, %dma_wait3A_487] : memref<16384x2048xf32, #tpu.memory_space<hbm>> -> memref<32x2048xf32, #tpu.memory_space<hbm>>
    %dma_wait3A_489 = arith.constant 0 : i32
    %dma_wait3A_490 = arith.constant 0 : i32
    %dma_wait3A_491 = tpu.memref_slice %arg5[%dma_wait3A_477, %dma_wait3A_489, %dma_wait3A_490] : memref<1x32x2048xf32, #tpu.memory_space<vmem>> -> memref<1x32x2048xf32, #tpu.memory_space<vmem>>
    %dma_wait3A_492 = tpu.memref_squeeze %dma_wait3A_491 : memref<1x32x2048xf32, #tpu.memory_space<vmem>> -> memref<32x2048xf32, #tpu.memory_space<vmem>>
    tpu.wait_dma2 semaphore(%dma_wait3A_486 : memref<!tpu.dma_semaphore, #tpu.memory_space<semaphore_mem>>) src(%dma_wait3A_492 : memref<32x2048xf32, #tpu.memory_space<vmem>>) dst(%dma_wait3A_488 : memref<32x2048xf32, #tpu.memory_space<hbm>>)
    %add3A_493 = arith.constant 288 : i32
    %add3A_494 = arith.addi %mul3A_2, %add3A_493 : i32
    %dma_start3A_495 = arith.constant 0 : i32
    %dma_start3A_496 = arith.constant 1 : i32
    %dma_start3A_497 = arith.constant 0 : i32
    %dma_start3A_498 = arith.constant 0 : i32
    %dma_start3A_499 = tpu.memref_slice %arg5[%dma_start3A_495, %dma_start3A_497, %dma_start3A_498] : memref<1x32x2048xf32, #tpu.memory_space<vmem>> -> memref<1x32x2048xf32, #tpu.memory_space<vmem>>
    %dma_start3A_500 = tpu.memref_squeeze %dma_start3A_499 : memref<1x32x2048xf32, #tpu.memory_space<vmem>> -> memref<32x2048xf32, #tpu.memory_space<vmem>>
    %dma_start3A_501 = arith.constant 0 : i32
    %dma_start3A_502 = tpu.memref_slice %arg2[%add3A_494, %dma_start3A_501] : memref<16384x2048xf32, #tpu.memory_space<hbm>> -> memref<32x2048xf32, #tpu.memory_space<hbm>>
    %dma_start3A_503 = tpu.memref_slice %arg6[%dma_start3A_496] : memref<2x!tpu.dma_semaphore, #tpu.memory_space<semaphore_mem>> -> memref<1x!tpu.dma_semaphore, #tpu.memory_space<semaphore_mem>>
    %dma_start3A_504 = tpu.memref_squeeze %dma_start3A_503 : memref<1x!tpu.dma_semaphore, #tpu.memory_space<semaphore_mem>> -> memref<!tpu.dma_semaphore, #tpu.memory_space<semaphore_mem>>
    %dma_start3A_505 = arith.constant 0 : i32
    %dma_start3A_506 = arith.constant 0 : i32
    %dma_start3A_507 = tpu.memref_slice %arg5[%dma_start3A_495, %dma_start3A_505, %dma_start3A_506] : memref<1x32x2048xf32, #tpu.memory_space<vmem>> -> memref<1x32x2048xf32, #tpu.memory_space<vmem>>
    %dma_start3A_508 = tpu.memref_squeeze %dma_start3A_507 : memref<1x32x2048xf32, #tpu.memory_space<vmem>> -> memref<32x2048xf32, #tpu.memory_space<vmem>>
    %dma_start3A_509 = arith.constant 0 : i32
    %dma_start3A_510 = tpu.memref_slice %arg2[%add3A_494, %dma_start3A_509] : memref<16384x2048xf32, #tpu.memory_space<hbm>> -> memref<32x2048xf32, #tpu.memory_space<hbm>>
    tpu.enqueue_dma source(%dma_start3A_510 : memref<32x2048xf32, #tpu.memory_space<hbm>>) target(%dma_start3A_508 : memref<32x2048xf32, #tpu.memory_space<vmem>>) target_semaphore(%dma_start3A_504 : memref<!tpu.dma_semaphore, #tpu.memory_space<semaphore_mem>>)
    %add3A_511 = arith.constant 256 : i32
    %add3A_512 = arith.addi %mul3A_2, %add3A_511 : i32
    %dma_wait3A_513 = arith.constant 0 : i32
    %dma_wait3A_514 = arith.constant 0 : i32
    %dma_wait3A_515 = tpu.memref_slice %arg6[%dma_wait3A_514] : memref<2x!tpu.dma_semaphore, #tpu.memory_space<semaphore_mem>> -> memref<1x!tpu.dma_semaphore, #tpu.memory_space<semaphore_mem>>
    %dma_wait3A_516 = tpu.memref_squeeze %dma_wait3A_515 : memref<1x!tpu.dma_semaphore, #tpu.memory_space<semaphore_mem>> -> memref<!tpu.dma_semaphore, #tpu.memory_space<semaphore_mem>>
    %dma_wait3A_517 = arith.constant 0 : i32
    %dma_wait3A_518 = arith.constant 0 : i32
    %dma_wait3A_519 = tpu.memref_slice %arg4[%arg1, %dma_wait3A_513, %dma_wait3A_517, %dma_wait3A_518] : memref<16x1x32x2048xf32, #tpu.memory_space<vmem_shared>> -> memref<1x1x32x2048xf32, #tpu.memory_space<vmem_shared>>
    %dma_wait3A_520 = tpu.memref_squeeze %dma_wait3A_519 : memref<1x1x32x2048xf32, #tpu.memory_space<vmem_shared>> -> memref<32x2048xf32, #tpu.memory_space<vmem_shared>>
    %dma_wait3A_521 = arith.constant 0 : i32
    %dma_wait3A_522 = tpu.memref_slice %arg2[%add3A_512, %dma_wait3A_521] : memref<16384x2048xf32, #tpu.memory_space<hbm>> -> memref<32x2048xf32, #tpu.memory_space<hbm>>
    tpu.wait_dma2 semaphore(%dma_wait3A_516 : memref<!tpu.dma_semaphore, #tpu.memory_space<semaphore_mem>>) src(%dma_wait3A_522 : memref<32x2048xf32, #tpu.memory_space<hbm>>) dst(%dma_wait3A_520 : memref<32x2048xf32, #tpu.memory_space<vmem_shared>>)
    %add3A_523 = arith.constant 256 : i32
    %add3A_524 = arith.addi %mul3A_2, %add3A_523 : i32
    %dma_start3A_525 = arith.constant 0 : i32
    %dma_start3A_526 = arith.constant 0 : i32
    %dma_start3A_527 = tpu.memref_slice %arg7[%dma_start3A_526] : memref<2x!tpu.dma_semaphore, #tpu.memory_space<semaphore_mem>> -> memref<1x!tpu.dma_semaphore, #tpu.memory_space<semaphore_mem>>
    %dma_start3A_528 = tpu.memref_squeeze %dma_start3A_527 : memref<1x!tpu.dma_semaphore, #tpu.memory_space<semaphore_mem>> -> memref<!tpu.dma_semaphore, #tpu.memory_space<semaphore_mem>>
    %dma_start3A_529 = arith.constant 0 : i32
    %dma_start3A_530 = tpu.memref_slice %arg3[%add3A_524, %dma_start3A_529] : memref<16384x2048xf32, #tpu.memory_space<hbm>> -> memref<32x2048xf32, #tpu.memory_space<hbm>>
    %dma_start3A_531 = arith.constant 0 : i32
    %dma_start3A_532 = arith.constant 0 : i32
    %dma_start3A_533 = tpu.memref_slice %arg4[%arg1, %dma_start3A_525, %dma_start3A_531, %dma_start3A_532] : memref<16x1x32x2048xf32, #tpu.memory_space<vmem_shared>> -> memref<1x1x32x2048xf32, #tpu.memory_space<vmem_shared>>
    %dma_start3A_534 = tpu.memref_squeeze %dma_start3A_533 : memref<1x1x32x2048xf32, #tpu.memory_space<vmem_shared>> -> memref<32x2048xf32, #tpu.memory_space<vmem_shared>>
    tpu.enqueue_dma source(%dma_start3A_534 : memref<32x2048xf32, #tpu.memory_space<vmem_shared>>) target(%dma_start3A_530 : memref<32x2048xf32, #tpu.memory_space<hbm>>) target_semaphore(%dma_start3A_528 : memref<!tpu.dma_semaphore, #tpu.memory_space<semaphore_mem>>)
    %add3A_535 = arith.constant 256 : i32
    %add3A_536 = arith.addi %mul3A_2, %add3A_535 : i32
    %dma_wait3A_537 = arith.constant 0 : i32
    %dma_wait3A_538 = arith.constant 0 : i32
    %dma_wait3A_539 = tpu.memref_slice %arg7[%dma_wait3A_538] : memref<2x!tpu.dma_semaphore, #tpu.memory_space<semaphore_mem>> -> memref<1x!tpu.dma_semaphore, #tpu.memory_space<semaphore_mem>>
    %dma_wait3A_540 = tpu.memref_squeeze %dma_wait3A_539 : memref<1x!tpu.dma_semaphore, #tpu.memory_space<semaphore_mem>> -> memref<!tpu.dma_semaphore, #tpu.memory_space<semaphore_mem>>
    %dma_wait3A_541 = arith.constant 0 : i32
    %dma_wait3A_542 = tpu.memref_slice %arg3[%add3A_536, %dma_wait3A_541] : memref<16384x2048xf32, #tpu.memory_space<hbm>> -> memref<32x2048xf32, #tpu.memory_space<hbm>>
    %dma_wait3A_543 = arith.constant 0 : i32
    %dma_wait3A_544 = arith.constant 0 : i32
    %dma_wait3A_545 = tpu.memref_slice %arg4[%arg1, %dma_wait3A_537, %dma_wait3A_543, %dma_wait3A_544] : memref<16x1x32x2048xf32, #tpu.memory_space<vmem_shared>> -> memref<1x1x32x2048xf32, #tpu.memory_space<vmem_shared>>
    %dma_wait3A_546 = tpu.memref_squeeze %dma_wait3A_545 : memref<1x1x32x2048xf32, #tpu.memory_space<vmem_shared>> -> memref<32x2048xf32, #tpu.memory_space<vmem_shared>>
    tpu.wait_dma2 semaphore(%dma_wait3A_540 : memref<!tpu.dma_semaphore, #tpu.memory_space<semaphore_mem>>) src(%dma_wait3A_546 : memref<32x2048xf32, #tpu.memory_space<vmem_shared>>) dst(%dma_wait3A_542 : memref<32x2048xf32, #tpu.memory_space<hbm>>)
    %add3A_547 = arith.constant 320 : i32
    %add3A_548 = arith.addi %mul3A_2, %add3A_547 : i32
    %dma_start3A_549 = arith.constant 0 : i32
    %dma_start3A_550 = arith.constant 0 : i32
    %dma_start3A_551 = tpu.memref_slice %arg6[%dma_start3A_550] : memref<2x!tpu.dma_semaphore, #tpu.memory_space<semaphore_mem>> -> memref<1x!tpu.dma_semaphore, #tpu.memory_space<semaphore_mem>>
    %dma_start3A_552 = tpu.memref_squeeze %dma_start3A_551 : memref<1x!tpu.dma_semaphore, #tpu.memory_space<semaphore_mem>> -> memref<!tpu.dma_semaphore, #tpu.memory_space<semaphore_mem>>
    %dma_start3A_553 = arith.constant 0 : i32
    %dma_start3A_554 = arith.constant 0 : i32
    %dma_start3A_555 = tpu.memref_slice %arg4[%arg1, %dma_start3A_549, %dma_start3A_553, %dma_start3A_554] : memref<16x1x32x2048xf32, #tpu.memory_space<vmem_shared>> -> memref<1x1x32x2048xf32, #tpu.memory_space<vmem_shared>>
    %dma_start3A_556 = tpu.memref_squeeze %dma_start3A_555 : memref<1x1x32x2048xf32, #tpu.memory_space<vmem_shared>> -> memref<32x2048xf32, #tpu.memory_space<vmem_shared>>
    %dma_start3A_557 = arith.constant 0 : i32
    %dma_start3A_558 = tpu.memref_slice %arg2[%add3A_548, %dma_start3A_557] : memref<16384x2048xf32, #tpu.memory_space<hbm>> -> memref<32x2048xf32, #tpu.memory_space<hbm>>
    tpu.enqueue_dma source(%dma_start3A_558 : memref<32x2048xf32, #tpu.memory_space<hbm>>) target(%dma_start3A_556 : memref<32x2048xf32, #tpu.memory_space<vmem_shared>>) target_semaphore(%dma_start3A_552 : memref<!tpu.dma_semaphore, #tpu.memory_space<semaphore_mem>>)
    %add3A_559 = arith.constant 288 : i32
    %add3A_560 = arith.addi %mul3A_2, %add3A_559 : i32
    %dma_wait3A_561 = arith.constant 0 : i32
    %dma_wait3A_562 = arith.constant 1 : i32
    %dma_wait3A_563 = arith.constant 0 : i32
    %dma_wait3A_564 = arith.constant 0 : i32
    %dma_wait3A_565 = tpu.memref_slice %arg5[%dma_wait3A_561, %dma_wait3A_563, %dma_wait3A_564] : memref<1x32x2048xf32, #tpu.memory_space<vmem>> -> memref<1x32x2048xf32, #tpu.memory_space<vmem>>
    %dma_wait3A_566 = tpu.memref_squeeze %dma_wait3A_565 : memref<1x32x2048xf32, #tpu.memory_space<vmem>> -> memref<32x2048xf32, #tpu.memory_space<vmem>>
    %dma_wait3A_567 = arith.constant 0 : i32
    %dma_wait3A_568 = tpu.memref_slice %arg2[%add3A_560, %dma_wait3A_567] : memref<16384x2048xf32, #tpu.memory_space<hbm>> -> memref<32x2048xf32, #tpu.memory_space<hbm>>
    %dma_wait3A_569 = tpu.memref_slice %arg6[%dma_wait3A_562] : memref<2x!tpu.dma_semaphore, #tpu.memory_space<semaphore_mem>> -> memref<1x!tpu.dma_semaphore, #tpu.memory_space<semaphore_mem>>
    %dma_wait3A_570 = tpu.memref_squeeze %dma_wait3A_569 : memref<1x!tpu.dma_semaphore, #tpu.memory_space<semaphore_mem>> -> memref<!tpu.dma_semaphore, #tpu.memory_space<semaphore_mem>>
    %dma_wait3A_571 = arith.constant 0 : i32
    %dma_wait3A_572 = arith.constant 0 : i32
    %dma_wait3A_573 = tpu.memref_slice %arg5[%dma_wait3A_561, %dma_wait3A_571, %dma_wait3A_572] : memref<1x32x2048xf32, #tpu.memory_space<vmem>> -> memref<1x32x2048xf32, #tpu.memory_space<vmem>>
    %dma_wait3A_574 = tpu.memref_squeeze %dma_wait3A_573 : memref<1x32x2048xf32, #tpu.memory_space<vmem>> -> memref<32x2048xf32, #tpu.memory_space<vmem>>
    %dma_wait3A_575 = arith.constant 0 : i32
    %dma_wait3A_576 = tpu.memref_slice %arg2[%add3A_560, %dma_wait3A_575] : memref<16384x2048xf32, #tpu.memory_space<hbm>> -> memref<32x2048xf32, #tpu.memory_space<hbm>>
    tpu.wait_dma2 semaphore(%dma_wait3A_570 : memref<!tpu.dma_semaphore, #tpu.memory_space<semaphore_mem>>) src(%dma_wait3A_576 : memref<32x2048xf32, #tpu.memory_space<hbm>>) dst(%dma_wait3A_574 : memref<32x2048xf32, #tpu.memory_space<vmem>>)
    %add3A_577 = arith.constant 288 : i32
    %add3A_578 = arith.addi %mul3A_2, %add3A_577 : i32
    %dma_start3A_579 = arith.constant 0 : i32
    %dma_start3A_580 = arith.constant 1 : i32
    %dma_start3A_581 = arith.constant 0 : i32
    %dma_start3A_582 = arith.constant 0 : i32
    %dma_start3A_583 = tpu.memref_slice %arg5[%dma_start3A_579, %dma_start3A_581, %dma_start3A_582] : memref<1x32x2048xf32, #tpu.memory_space<vmem>> -> memref<1x32x2048xf32, #tpu.memory_space<vmem>>
    %dma_start3A_584 = tpu.memref_squeeze %dma_start3A_583 : memref<1x32x2048xf32, #tpu.memory_space<vmem>> -> memref<32x2048xf32, #tpu.memory_space<vmem>>
    %dma_start3A_585 = arith.constant 0 : i32
    %dma_start3A_586 = tpu.memref_slice %arg3[%add3A_578, %dma_start3A_585] : memref<16384x2048xf32, #tpu.memory_space<hbm>> -> memref<32x2048xf32, #tpu.memory_space<hbm>>
    %dma_start3A_587 = tpu.memref_slice %arg7[%dma_start3A_580] : memref<2x!tpu.dma_semaphore, #tpu.memory_space<semaphore_mem>> -> memref<1x!tpu.dma_semaphore, #tpu.memory_space<semaphore_mem>>
    %dma_start3A_588 = tpu.memref_squeeze %dma_start3A_587 : memref<1x!tpu.dma_semaphore, #tpu.memory_space<semaphore_mem>> -> memref<!tpu.dma_semaphore, #tpu.memory_space<semaphore_mem>>
    %dma_start3A_589 = arith.constant 0 : i32
    %dma_start3A_590 = tpu.memref_slice %arg3[%add3A_578, %dma_start3A_589] : memref<16384x2048xf32, #tpu.memory_space<hbm>> -> memref<32x2048xf32, #tpu.memory_space<hbm>>
    %dma_start3A_591 = arith.constant 0 : i32
    %dma_start3A_592 = arith.constant 0 : i32
    %dma_start3A_593 = tpu.memref_slice %arg5[%dma_start3A_579, %dma_start3A_591, %dma_start3A_592] : memref<1x32x2048xf32, #tpu.memory_space<vmem>> -> memref<1x32x2048xf32, #tpu.memory_space<vmem>>
    %dma_start3A_594 = tpu.memref_squeeze %dma_start3A_593 : memref<1x32x2048xf32, #tpu.memory_space<vmem>> -> memref<32x2048xf32, #tpu.memory_space<vmem>>
    tpu.enqueue_dma source(%dma_start3A_594 : memref<32x2048xf32, #tpu.memory_space<vmem>>) target(%dma_start3A_590 : memref<32x2048xf32, #tpu.memory_space<hbm>>) target_semaphore(%dma_start3A_588 : memref<!tpu.dma_semaphore, #tpu.memory_space<semaphore_mem>>)
    %add3A_595 = arith.constant 288 : i32
    %add3A_596 = arith.addi %mul3A_2, %add3A_595 : i32
    %dma_wait3A_597 = arith.constant 0 : i32
    %dma_wait3A_598 = arith.constant 1 : i32
    %dma_wait3A_599 = arith.constant 0 : i32
    %dma_wait3A_600 = arith.constant 0 : i32
    %dma_wait3A_601 = tpu.memref_slice %arg5[%dma_wait3A_597, %dma_wait3A_599, %dma_wait3A_600] : memref<1x32x2048xf32, #tpu.memory_space<vmem>> -> memref<1x32x2048xf32, #tpu.memory_space<vmem>>
    %dma_wait3A_602 = tpu.memref_squeeze %dma_wait3A_601 : memref<1x32x2048xf32, #tpu.memory_space<vmem>> -> memref<32x2048xf32, #tpu.memory_space<vmem>>
    %dma_wait3A_603 = arith.constant 0 : i32
    %dma_wait3A_604 = tpu.memref_slice %arg3[%add3A_596, %dma_wait3A_603] : memref<16384x2048xf32, #tpu.memory_space<hbm>> -> memref<32x2048xf32, #tpu.memory_space<hbm>>
    %dma_wait3A_605 = tpu.memref_slice %arg7[%dma_wait3A_598] : memref<2x!tpu.dma_semaphore, #tpu.memory_space<semaphore_mem>> -> memref<1x!tpu.dma_semaphore, #tpu.memory_space<semaphore_mem>>
    %dma_wait3A_606 = tpu.memref_squeeze %dma_wait3A_605 : memref<1x!tpu.dma_semaphore, #tpu.memory_space<semaphore_mem>> -> memref<!tpu.dma_semaphore, #tpu.memory_space<semaphore_mem>>
    %dma_wait3A_607 = arith.constant 0 : i32
    %dma_wait3A_608 = tpu.memref_slice %arg3[%add3A_596, %dma_wait3A_607] : memref<16384x2048xf32, #tpu.memory_space<hbm>> -> memref<32x2048xf32, #tpu.memory_space<hbm>>
    %dma_wait3A_609 = arith.constant 0 : i32
    %dma_wait3A_610 = arith.constant 0 : i32
    %dma_wait3A_611 = tpu.memref_slice %arg5[%dma_wait3A_597, %dma_wait3A_609, %dma_wait3A_610] : memref<1x32x2048xf32, #tpu.memory_space<vmem>> -> memref<1x32x2048xf32, #tpu.memory_space<vmem>>
    %dma_wait3A_612 = tpu.memref_squeeze %dma_wait3A_611 : memref<1x32x2048xf32, #tpu.memory_space<vmem>> -> memref<32x2048xf32, #tpu.memory_space<vmem>>
    tpu.wait_dma2 semaphore(%dma_wait3A_606 : memref<!tpu.dma_semaphore, #tpu.memory_space<semaphore_mem>>) src(%dma_wait3A_612 : memref<32x2048xf32, #tpu.memory_space<vmem>>) dst(%dma_wait3A_608 : memref<32x2048xf32, #tpu.memory_space<hbm>>)
    %add3A_613 = arith.constant 352 : i32
    %add3A_614 = arith.addi %mul3A_2, %add3A_613 : i32
    %dma_start3A_615 = arith.constant 0 : i32
    %dma_start3A_616 = arith.constant 1 : i32
    %dma_start3A_617 = arith.constant 0 : i32
    %dma_start3A_618 = arith.constant 0 : i32
    %dma_start3A_619 = tpu.memref_slice %arg5[%dma_start3A_615, %dma_start3A_617, %dma_start3A_618] : memref<1x32x2048xf32, #tpu.memory_space<vmem>> -> memref<1x32x2048xf32, #tpu.memory_space<vmem>>
    %dma_start3A_620 = tpu.memref_squeeze %dma_start3A_619 : memref<1x32x2048xf32, #tpu.memory_space<vmem>> -> memref<32x2048xf32, #tpu.memory_space<vmem>>
    %dma_start3A_621 = arith.constant 0 : i32
    %dma_start3A_622 = tpu.memref_slice %arg2[%add3A_614, %dma_start3A_621] : memref<16384x2048xf32, #tpu.memory_space<hbm>> -> memref<32x2048xf32, #tpu.memory_space<hbm>>
    %dma_start3A_623 = tpu.memref_slice %arg6[%dma_start3A_616] : memref<2x!tpu.dma_semaphore, #tpu.memory_space<semaphore_mem>> -> memref<1x!tpu.dma_semaphore, #tpu.memory_space<semaphore_mem>>
    %dma_start3A_624 = tpu.memref_squeeze %dma_start3A_623 : memref<1x!tpu.dma_semaphore, #tpu.memory_space<semaphore_mem>> -> memref<!tpu.dma_semaphore, #tpu.memory_space<semaphore_mem>>
    %dma_start3A_625 = arith.constant 0 : i32
    %dma_start3A_626 = arith.constant 0 : i32
    %dma_start3A_627 = tpu.memref_slice %arg5[%dma_start3A_615, %dma_start3A_625, %dma_start3A_626] : memref<1x32x2048xf32, #tpu.memory_space<vmem>> -> memref<1x32x2048xf32, #tpu.memory_space<vmem>>
    %dma_start3A_628 = tpu.memref_squeeze %dma_start3A_627 : memref<1x32x2048xf32, #tpu.memory_space<vmem>> -> memref<32x2048xf32, #tpu.memory_space<vmem>>
    %dma_start3A_629 = arith.constant 0 : i32
    %dma_start3A_630 = tpu.memref_slice %arg2[%add3A_614, %dma_start3A_629] : memref<16384x2048xf32, #tpu.memory_space<hbm>> -> memref<32x2048xf32, #tpu.memory_space<hbm>>
    tpu.enqueue_dma source(%dma_start3A_630 : memref<32x2048xf32, #tpu.memory_space<hbm>>) target(%dma_start3A_628 : memref<32x2048xf32, #tpu.memory_space<vmem>>) target_semaphore(%dma_start3A_624 : memref<!tpu.dma_semaphore, #tpu.memory_space<semaphore_mem>>)
    %add3A_631 = arith.constant 320 : i32
    %add3A_632 = arith.addi %mul3A_2, %add3A_631 : i32
    %dma_wait3A_633 = arith.constant 0 : i32
    %dma_wait3A_634 = arith.constant 0 : i32
    %dma_wait3A_635 = tpu.memref_slice %arg6[%dma_wait3A_634] : memref<2x!tpu.dma_semaphore, #tpu.memory_space<semaphore_mem>> -> memref<1x!tpu.dma_semaphore, #tpu.memory_space<semaphore_mem>>
    %dma_wait3A_636 = tpu.memref_squeeze %dma_wait3A_635 : memref<1x!tpu.dma_semaphore, #tpu.memory_space<semaphore_mem>> -> memref<!tpu.dma_semaphore, #tpu.memory_space<semaphore_mem>>
    %dma_wait3A_637 = arith.constant 0 : i32
    %dma_wait3A_638 = arith.constant 0 : i32
    %dma_wait3A_639 = tpu.memref_slice %arg4[%arg1, %dma_wait3A_633, %dma_wait3A_637, %dma_wait3A_638] : memref<16x1x32x2048xf32, #tpu.memory_space<vmem_shared>> -> memref<1x1x32x2048xf32, #tpu.memory_space<vmem_shared>>
    %dma_wait3A_640 = tpu.memref_squeeze %dma_wait3A_639 : memref<1x1x32x2048xf32, #tpu.memory_space<vmem_shared>> -> memref<32x2048xf32, #tpu.memory_space<vmem_shared>>
    %dma_wait3A_641 = arith.constant 0 : i32
    %dma_wait3A_642 = tpu.memref_slice %arg2[%add3A_632, %dma_wait3A_641] : memref<16384x2048xf32, #tpu.memory_space<hbm>> -> memref<32x2048xf32, #tpu.memory_space<hbm>>
    tpu.wait_dma2 semaphore(%dma_wait3A_636 : memref<!tpu.dma_semaphore, #tpu.memory_space<semaphore_mem>>) src(%dma_wait3A_642 : memref<32x2048xf32, #tpu.memory_space<hbm>>) dst(%dma_wait3A_640 : memref<32x2048xf32, #tpu.memory_space<vmem_shared>>)
    %add3A_643 = arith.constant 320 : i32
    %add3A_644 = arith.addi %mul3A_2, %add3A_643 : i32
    %dma_start3A_645 = arith.constant 0 : i32
    %dma_start3A_646 = arith.constant 0 : i32
    %dma_start3A_647 = tpu.memref_slice %arg7[%dma_start3A_646] : memref<2x!tpu.dma_semaphore, #tpu.memory_space<semaphore_mem>> -> memref<1x!tpu.dma_semaphore, #tpu.memory_space<semaphore_mem>>
    %dma_start3A_648 = tpu.memref_squeeze %dma_start3A_647 : memref<1x!tpu.dma_semaphore, #tpu.memory_space<semaphore_mem>> -> memref<!tpu.dma_semaphore, #tpu.memory_space<semaphore_mem>>
    %dma_start3A_649 = arith.constant 0 : i32
    %dma_start3A_650 = tpu.memref_slice %arg3[%add3A_644, %dma_start3A_649] : memref<16384x2048xf32, #tpu.memory_space<hbm>> -> memref<32x2048xf32, #tpu.memory_space<hbm>>
    %dma_start3A_651 = arith.constant 0 : i32
    %dma_start3A_652 = arith.constant 0 : i32
    %dma_start3A_653 = tpu.memref_slice %arg4[%arg1, %dma_start3A_645, %dma_start3A_651, %dma_start3A_652] : memref<16x1x32x2048xf32, #tpu.memory_space<vmem_shared>> -> memref<1x1x32x2048xf32, #tpu.memory_space<vmem_shared>>
    %dma_start3A_654 = tpu.memref_squeeze %dma_start3A_653 : memref<1x1x32x2048xf32, #tpu.memory_space<vmem_shared>> -> memref<32x2048xf32, #tpu.memory_space<vmem_shared>>
    tpu.enqueue_dma source(%dma_start3A_654 : memref<32x2048xf32, #tpu.memory_space<vmem_shared>>) target(%dma_start3A_650 : memref<32x2048xf32, #tpu.memory_space<hbm>>) target_semaphore(%dma_start3A_648 : memref<!tpu.dma_semaphore, #tpu.memory_space<semaphore_mem>>)
    %add3A_655 = arith.constant 320 : i32
    %add3A_656 = arith.addi %mul3A_2, %add3A_655 : i32
    %dma_wait3A_657 = arith.constant 0 : i32
    %dma_wait3A_658 = arith.constant 0 : i32
    %dma_wait3A_659 = tpu.memref_slice %arg7[%dma_wait3A_658] : memref<2x!tpu.dma_semaphore, #tpu.memory_space<semaphore_mem>> -> memref<1x!tpu.dma_semaphore, #tpu.memory_space<semaphore_mem>>
    %dma_wait3A_660 = tpu.memref_squeeze %dma_wait3A_659 : memref<1x!tpu.dma_semaphore, #tpu.memory_space<semaphore_mem>> -> memref<!tpu.dma_semaphore, #tpu.memory_space<semaphore_mem>>
    %dma_wait3A_661 = arith.constant 0 : i32
    %dma_wait3A_662 = tpu.memref_slice %arg3[%add3A_656, %dma_wait3A_661] : memref<16384x2048xf32, #tpu.memory_space<hbm>> -> memref<32x2048xf32, #tpu.memory_space<hbm>>
    %dma_wait3A_663 = arith.constant 0 : i32
    %dma_wait3A_664 = arith.constant 0 : i32
    %dma_wait3A_665 = tpu.memref_slice %arg4[%arg1, %dma_wait3A_657, %dma_wait3A_663, %dma_wait3A_664] : memref<16x1x32x2048xf32, #tpu.memory_space<vmem_shared>> -> memref<1x1x32x2048xf32, #tpu.memory_space<vmem_shared>>
    %dma_wait3A_666 = tpu.memref_squeeze %dma_wait3A_665 : memref<1x1x32x2048xf32, #tpu.memory_space<vmem_shared>> -> memref<32x2048xf32, #tpu.memory_space<vmem_shared>>
    tpu.wait_dma2 semaphore(%dma_wait3A_660 : memref<!tpu.dma_semaphore, #tpu.memory_space<semaphore_mem>>) src(%dma_wait3A_666 : memref<32x2048xf32, #tpu.memory_space<vmem_shared>>) dst(%dma_wait3A_662 : memref<32x2048xf32, #tpu.memory_space<hbm>>)
    %add3A_667 = arith.constant 384 : i32
    %add3A_668 = arith.addi %mul3A_2, %add3A_667 : i32
    %dma_start3A_669 = arith.constant 0 : i32
    %dma_start3A_670 = arith.constant 0 : i32
    %dma_start3A_671 = tpu.memref_slice %arg6[%dma_start3A_670] : memref<2x!tpu.dma_semaphore, #tpu.memory_space<semaphore_mem>> -> memref<1x!tpu.dma_semaphore, #tpu.memory_space<semaphore_mem>>
    %dma_start3A_672 = tpu.memref_squeeze %dma_start3A_671 : memref<1x!tpu.dma_semaphore, #tpu.memory_space<semaphore_mem>> -> memref<!tpu.dma_semaphore, #tpu.memory_space<semaphore_mem>>
    %dma_start3A_673 = arith.constant 0 : i32
    %dma_start3A_674 = arith.constant 0 : i32
    %dma_start3A_675 = tpu.memref_slice %arg4[%arg1, %dma_start3A_669, %dma_start3A_673, %dma_start3A_674] : memref<16x1x32x2048xf32, #tpu.memory_space<vmem_shared>> -> memref<1x1x32x2048xf32, #tpu.memory_space<vmem_shared>>
    %dma_start3A_676 = tpu.memref_squeeze %dma_start3A_675 : memref<1x1x32x2048xf32, #tpu.memory_space<vmem_shared>> -> memref<32x2048xf32, #tpu.memory_space<vmem_shared>>
    %dma_start3A_677 = arith.constant 0 : i32
    %dma_start3A_678 = tpu.memref_slice %arg2[%add3A_668, %dma_start3A_677] : memref<16384x2048xf32, #tpu.memory_space<hbm>> -> memref<32x2048xf32, #tpu.memory_space<hbm>>
    tpu.enqueue_dma source(%dma_start3A_678 : memref<32x2048xf32, #tpu.memory_space<hbm>>) target(%dma_start3A_676 : memref<32x2048xf32, #tpu.memory_space<vmem_shared>>) target_semaphore(%dma_start3A_672 : memref<!tpu.dma_semaphore, #tpu.memory_space<semaphore_mem>>)
    %add3A_679 = arith.constant 352 : i32
    %add3A_680 = arith.addi %mul3A_2, %add3A_679 : i32
    %dma_wait3A_681 = arith.constant 0 : i32
    %dma_wait3A_682 = arith.constant 1 : i32
    %dma_wait3A_683 = arith.constant 0 : i32
    %dma_wait3A_684 = arith.constant 0 : i32
    %dma_wait3A_685 = tpu.memref_slice %arg5[%dma_wait3A_681, %dma_wait3A_683, %dma_wait3A_684] : memref<1x32x2048xf32, #tpu.memory_space<vmem>> -> memref<1x32x2048xf32, #tpu.memory_space<vmem>>
    %dma_wait3A_686 = tpu.memref_squeeze %dma_wait3A_685 : memref<1x32x2048xf32, #tpu.memory_space<vmem>> -> memref<32x2048xf32, #tpu.memory_space<vmem>>
    %dma_wait3A_687 = arith.constant 0 : i32
    %dma_wait3A_688 = tpu.memref_slice %arg2[%add3A_680, %dma_wait3A_687] : memref<16384x2048xf32, #tpu.memory_space<hbm>> -> memref<32x2048xf32, #tpu.memory_space<hbm>>
    %dma_wait3A_689 = tpu.memref_slice %arg6[%dma_wait3A_682] : memref<2x!tpu.dma_semaphore, #tpu.memory_space<semaphore_mem>> -> memref<1x!tpu.dma_semaphore, #tpu.memory_space<semaphore_mem>>
    %dma_wait3A_690 = tpu.memref_squeeze %dma_wait3A_689 : memref<1x!tpu.dma_semaphore, #tpu.memory_space<semaphore_mem>> -> memref<!tpu.dma_semaphore, #tpu.memory_space<semaphore_mem>>
    %dma_wait3A_691 = arith.constant 0 : i32
    %dma_wait3A_692 = arith.constant 0 : i32
    %dma_wait3A_693 = tpu.memref_slice %arg5[%dma_wait3A_681, %dma_wait3A_691, %dma_wait3A_692] : memref<1x32x2048xf32, #tpu.memory_space<vmem>> -> memref<1x32x2048xf32, #tpu.memory_space<vmem>>
    %dma_wait3A_694 = tpu.memref_squeeze %dma_wait3A_693 : memref<1x32x2048xf32, #tpu.memory_space<vmem>> -> memref<32x2048xf32, #tpu.memory_space<vmem>>
    %dma_wait3A_695 = arith.constant 0 : i32
    %dma_wait3A_696 = tpu.memref_slice %arg2[%add3A_680, %dma_wait3A_695] : memref<16384x2048xf32, #tpu.memory_space<hbm>> -> memref<32x2048xf32, #tpu.memory_space<hbm>>
    tpu.wait_dma2 semaphore(%dma_wait3A_690 : memref<!tpu.dma_semaphore, #tpu.memory_space<semaphore_mem>>) src(%dma_wait3A_696 : memref<32x2048xf32, #tpu.memory_space<hbm>>) dst(%dma_wait3A_694 : memref<32x2048xf32, #tpu.memory_space<vmem>>)
    %add3A_697 = arith.constant 352 : i32
    %add3A_698 = arith.addi %mul3A_2, %add3A_697 : i32
    %dma_start3A_699 = arith.constant 0 : i32
    %dma_start3A_700 = arith.constant 1 : i32
    %dma_start3A_701 = arith.constant 0 : i32
    %dma_start3A_702 = arith.constant 0 : i32
    %dma_start3A_703 = tpu.memref_slice %arg5[%dma_start3A_699, %dma_start3A_701, %dma_start3A_702] : memref<1x32x2048xf32, #tpu.memory_space<vmem>> -> memref<1x32x2048xf32, #tpu.memory_space<vmem>>
    %dma_start3A_704 = tpu.memref_squeeze %dma_start3A_703 : memref<1x32x2048xf32, #tpu.memory_space<vmem>> -> memref<32x2048xf32, #tpu.memory_space<vmem>>
    %dma_start3A_705 = arith.constant 0 : i32
    %dma_start3A_706 = tpu.memref_slice %arg3[%add3A_698, %dma_start3A_705] : memref<16384x2048xf32, #tpu.memory_space<hbm>> -> memref<32x2048xf32, #tpu.memory_space<hbm>>
    %dma_start3A_707 = tpu.memref_slice %arg7[%dma_start3A_700] : memref<2x!tpu.dma_semaphore, #tpu.memory_space<semaphore_mem>> -> memref<1x!tpu.dma_semaphore, #tpu.memory_space<semaphore_mem>>
    %dma_start3A_708 = tpu.memref_squeeze %dma_start3A_707 : memref<1x!tpu.dma_semaphore, #tpu.memory_space<semaphore_mem>> -> memref<!tpu.dma_semaphore, #tpu.memory_space<semaphore_mem>>
    %dma_start3A_709 = arith.constant 0 : i32
    %dma_start3A_710 = tpu.memref_slice %arg3[%add3A_698, %dma_start3A_709] : memref<16384x2048xf32, #tpu.memory_space<hbm>> -> memref<32x2048xf32, #tpu.memory_space<hbm>>
    %dma_start3A_711 = arith.constant 0 : i32
    %dma_start3A_712 = arith.constant 0 : i32
    %dma_start3A_713 = tpu.memref_slice %arg5[%dma_start3A_699, %dma_start3A_711, %dma_start3A_712] : memref<1x32x2048xf32, #tpu.memory_space<vmem>> -> memref<1x32x2048xf32, #tpu.memory_space<vmem>>
    %dma_start3A_714 = tpu.memref_squeeze %dma_start3A_713 : memref<1x32x2048xf32, #tpu.memory_space<vmem>> -> memref<32x2048xf32, #tpu.memory_space<vmem>>
    tpu.enqueue_dma source(%dma_start3A_714 : memref<32x2048xf32, #tpu.memory_space<vmem>>) target(%dma_start3A_710 : memref<32x2048xf32, #tpu.memory_space<hbm>>) target_semaphore(%dma_start3A_708 : memref<!tpu.dma_semaphore, #tpu.memory_space<semaphore_mem>>)
    %add3A_715 = arith.constant 352 : i32
    %add3A_716 = arith.addi %mul3A_2, %add3A_715 : i32
    %dma_wait3A_717 = arith.constant 0 : i32
    %dma_wait3A_718 = arith.constant 1 : i32
    %dma_wait3A_719 = arith.constant 0 : i32
    %dma_wait3A_720 = arith.constant 0 : i32
    %dma_wait3A_721 = tpu.memref_slice %arg5[%dma_wait3A_717, %dma_wait3A_719, %dma_wait3A_720] : memref<1x32x2048xf32, #tpu.memory_space<vmem>> -> memref<1x32x2048xf32, #tpu.memory_space<vmem>>
    %dma_wait3A_722 = tpu.memref_squeeze %dma_wait3A_721 : memref<1x32x2048xf32, #tpu.memory_space<vmem>> -> memref<32x2048xf32, #tpu.memory_space<vmem>>
    %dma_wait3A_723 = arith.constant 0 : i32
    %dma_wait3A_724 = tpu.memref_slice %arg3[%add3A_716, %dma_wait3A_723] : memref<16384x2048xf32, #tpu.memory_space<hbm>> -> memref<32x2048xf32, #tpu.memory_space<hbm>>
    %dma_wait3A_725 = tpu.memref_slice %arg7[%dma_wait3A_718] : memref<2x!tpu.dma_semaphore, #tpu.memory_space<semaphore_mem>> -> memref<1x!tpu.dma_semaphore, #tpu.memory_space<semaphore_mem>>
    %dma_wait3A_726 = tpu.memref_squeeze %dma_wait3A_725 : memref<1x!tpu.dma_semaphore, #tpu.memory_space<semaphore_mem>> -> memref<!tpu.dma_semaphore, #tpu.memory_space<semaphore_mem>>
    %dma_wait3A_727 = arith.constant 0 : i32
    %dma_wait3A_728 = tpu.memref_slice %arg3[%add3A_716, %dma_wait3A_727] : memref<16384x2048xf32, #tpu.memory_space<hbm>> -> memref<32x2048xf32, #tpu.memory_space<hbm>>
    %dma_wait3A_729 = arith.constant 0 : i32
    %dma_wait3A_730 = arith.constant 0 : i32
    %dma_wait3A_731 = tpu.memref_slice %arg5[%dma_wait3A_717, %dma_wait3A_729, %dma_wait3A_730] : memref<1x32x2048xf32, #tpu.memory_space<vmem>> -> memref<1x32x2048xf32, #tpu.memory_space<vmem>>
    %dma_wait3A_732 = tpu.memref_squeeze %dma_wait3A_731 : memref<1x32x2048xf32, #tpu.memory_space<vmem>> -> memref<32x2048xf32, #tpu.memory_space<vmem>>
    tpu.wait_dma2 semaphore(%dma_wait3A_726 : memref<!tpu.dma_semaphore, #tpu.memory_space<semaphore_mem>>) src(%dma_wait3A_732 : memref<32x2048xf32, #tpu.memory_space<vmem>>) dst(%dma_wait3A_728 : memref<32x2048xf32, #tpu.memory_space<hbm>>)
    %add3A_733 = arith.constant 416 : i32
    %add3A_734 = arith.addi %mul3A_2, %add3A_733 : i32
    %dma_start3A_735 = arith.constant 0 : i32
    %dma_start3A_736 = arith.constant 1 : i32
    %dma_start3A_737 = arith.constant 0 : i32
    %dma_start3A_738 = arith.constant 0 : i32
    %dma_start3A_739 = tpu.memref_slice %arg5[%dma_start3A_735, %dma_start3A_737, %dma_start3A_738] : memref<1x32x2048xf32, #tpu.memory_space<vmem>> -> memref<1x32x2048xf32, #tpu.memory_space<vmem>>
    %dma_start3A_740 = tpu.memref_squeeze %dma_start3A_739 : memref<1x32x2048xf32, #tpu.memory_space<vmem>> -> memref<32x2048xf32, #tpu.memory_space<vmem>>
    %dma_start3A_741 = arith.constant 0 : i32
    %dma_start3A_742 = tpu.memref_slice %arg2[%add3A_734, %dma_start3A_741] : memref<16384x2048xf32, #tpu.memory_space<hbm>> -> memref<32x2048xf32, #tpu.memory_space<hbm>>
    %dma_start3A_743 = tpu.memref_slice %arg6[%dma_start3A_736] : memref<2x!tpu.dma_semaphore, #tpu.memory_space<semaphore_mem>> -> memref<1x!tpu.dma_semaphore, #tpu.memory_space<semaphore_mem>>
    %dma_start3A_744 = tpu.memref_squeeze %dma_start3A_743 : memref<1x!tpu.dma_semaphore, #tpu.memory_space<semaphore_mem>> -> memref<!tpu.dma_semaphore, #tpu.memory_space<semaphore_mem>>
    %dma_start3A_745 = arith.constant 0 : i32
    %dma_start3A_746 = arith.constant 0 : i32
    %dma_start3A_747 = tpu.memref_slice %arg5[%dma_start3A_735, %dma_start3A_745, %dma_start3A_746] : memref<1x32x2048xf32, #tpu.memory_space<vmem>> -> memref<1x32x2048xf32, #tpu.memory_space<vmem>>
    %dma_start3A_748 = tpu.memref_squeeze %dma_start3A_747 : memref<1x32x2048xf32, #tpu.memory_space<vmem>> -> memref<32x2048xf32, #tpu.memory_space<vmem>>
    %dma_start3A_749 = arith.constant 0 : i32
    %dma_start3A_750 = tpu.memref_slice %arg2[%add3A_734, %dma_start3A_749] : memref<16384x2048xf32, #tpu.memory_space<hbm>> -> memref<32x2048xf32, #tpu.memory_space<hbm>>
    tpu.enqueue_dma source(%dma_start3A_750 : memref<32x2048xf32, #tpu.memory_space<hbm>>) target(%dma_start3A_748 : memref<32x2048xf32, #tpu.memory_space<vmem>>) target_semaphore(%dma_start3A_744 : memref<!tpu.dma_semaphore, #tpu.memory_space<semaphore_mem>>)
    %add3A_751 = arith.constant 384 : i32
    %add3A_752 = arith.addi %mul3A_2, %add3A_751 : i32
    %dma_wait3A_753 = arith.constant 0 : i32
    %dma_wait3A_754 = arith.constant 0 : i32
    %dma_wait3A_755 = tpu.memref_slice %arg6[%dma_wait3A_754] : memref<2x!tpu.dma_semaphore, #tpu.memory_space<semaphore_mem>> -> memref<1x!tpu.dma_semaphore, #tpu.memory_space<semaphore_mem>>
    %dma_wait3A_756 = tpu.memref_squeeze %dma_wait3A_755 : memref<1x!tpu.dma_semaphore, #tpu.memory_space<semaphore_mem>> -> memref<!tpu.dma_semaphore, #tpu.memory_space<semaphore_mem>>
    %dma_wait3A_757 = arith.constant 0 : i32
    %dma_wait3A_758 = arith.constant 0 : i32
    %dma_wait3A_759 = tpu.memref_slice %arg4[%arg1, %dma_wait3A_753, %dma_wait3A_757, %dma_wait3A_758] : memref<16x1x32x2048xf32, #tpu.memory_space<vmem_shared>> -> memref<1x1x32x2048xf32, #tpu.memory_space<vmem_shared>>
    %dma_wait3A_760 = tpu.memref_squeeze %dma_wait3A_759 : memref<1x1x32x2048xf32, #tpu.memory_space<vmem_shared>> -> memref<32x2048xf32, #tpu.memory_space<vmem_shared>>
    %dma_wait3A_761 = arith.constant 0 : i32
    %dma_wait3A_762 = tpu.memref_slice %arg2[%add3A_752, %dma_wait3A_761] : memref<16384x2048xf32, #tpu.memory_space<hbm>> -> memref<32x2048xf32, #tpu.memory_space<hbm>>
    tpu.wait_dma2 semaphore(%dma_wait3A_756 : memref<!tpu.dma_semaphore, #tpu.memory_space<semaphore_mem>>) src(%dma_wait3A_762 : memref<32x2048xf32, #tpu.memory_space<hbm>>) dst(%dma_wait3A_760 : memref<32x2048xf32, #tpu.memory_space<vmem_shared>>)
    %add3A_763 = arith.constant 384 : i32
    %add3A_764 = arith.addi %mul3A_2, %add3A_763 : i32
    %dma_start3A_765 = arith.constant 0 : i32
    %dma_start3A_766 = arith.constant 0 : i32
    %dma_start3A_767 = tpu.memref_slice %arg7[%dma_start3A_766] : memref<2x!tpu.dma_semaphore, #tpu.memory_space<semaphore_mem>> -> memref<1x!tpu.dma_semaphore, #tpu.memory_space<semaphore_mem>>
    %dma_start3A_768 = tpu.memref_squeeze %dma_start3A_767 : memref<1x!tpu.dma_semaphore, #tpu.memory_space<semaphore_mem>> -> memref<!tpu.dma_semaphore, #tpu.memory_space<semaphore_mem>>
    %dma_start3A_769 = arith.constant 0 : i32
    %dma_start3A_770 = tpu.memref_slice %arg3[%add3A_764, %dma_start3A_769] : memref<16384x2048xf32, #tpu.memory_space<hbm>> -> memref<32x2048xf32, #tpu.memory_space<hbm>>
    %dma_start3A_771 = arith.constant 0 : i32
    %dma_start3A_772 = arith.constant 0 : i32
    %dma_start3A_773 = tpu.memref_slice %arg4[%arg1, %dma_start3A_765, %dma_start3A_771, %dma_start3A_772] : memref<16x1x32x2048xf32, #tpu.memory_space<vmem_shared>> -> memref<1x1x32x2048xf32, #tpu.memory_space<vmem_shared>>
    %dma_start3A_774 = tpu.memref_squeeze %dma_start3A_773 : memref<1x1x32x2048xf32, #tpu.memory_space<vmem_shared>> -> memref<32x2048xf32, #tpu.memory_space<vmem_shared>>
    tpu.enqueue_dma source(%dma_start3A_774 : memref<32x2048xf32, #tpu.memory_space<vmem_shared>>) target(%dma_start3A_770 : memref<32x2048xf32, #tpu.memory_space<hbm>>) target_semaphore(%dma_start3A_768 : memref<!tpu.dma_semaphore, #tpu.memory_space<semaphore_mem>>)
    %add3A_775 = arith.constant 384 : i32
    %add3A_776 = arith.addi %mul3A_2, %add3A_775 : i32
    %dma_wait3A_777 = arith.constant 0 : i32
    %dma_wait3A_778 = arith.constant 0 : i32
    %dma_wait3A_779 = tpu.memref_slice %arg7[%dma_wait3A_778] : memref<2x!tpu.dma_semaphore, #tpu.memory_space<semaphore_mem>> -> memref<1x!tpu.dma_semaphore, #tpu.memory_space<semaphore_mem>>
    %dma_wait3A_780 = tpu.memref_squeeze %dma_wait3A_779 : memref<1x!tpu.dma_semaphore, #tpu.memory_space<semaphore_mem>> -> memref<!tpu.dma_semaphore, #tpu.memory_space<semaphore_mem>>
    %dma_wait3A_781 = arith.constant 0 : i32
    %dma_wait3A_782 = tpu.memref_slice %arg3[%add3A_776, %dma_wait3A_781] : memref<16384x2048xf32, #tpu.memory_space<hbm>> -> memref<32x2048xf32, #tpu.memory_space<hbm>>
    %dma_wait3A_783 = arith.constant 0 : i32
    %dma_wait3A_784 = arith.constant 0 : i32
    %dma_wait3A_785 = tpu.memref_slice %arg4[%arg1, %dma_wait3A_777, %dma_wait3A_783, %dma_wait3A_784] : memref<16x1x32x2048xf32, #tpu.memory_space<vmem_shared>> -> memref<1x1x32x2048xf32, #tpu.memory_space<vmem_shared>>
    %dma_wait3A_786 = tpu.memref_squeeze %dma_wait3A_785 : memref<1x1x32x2048xf32, #tpu.memory_space<vmem_shared>> -> memref<32x2048xf32, #tpu.memory_space<vmem_shared>>
    tpu.wait_dma2 semaphore(%dma_wait3A_780 : memref<!tpu.dma_semaphore, #tpu.memory_space<semaphore_mem>>) src(%dma_wait3A_786 : memref<32x2048xf32, #tpu.memory_space<vmem_shared>>) dst(%dma_wait3A_782 : memref<32x2048xf32, #tpu.memory_space<hbm>>)
    %add3A_787 = arith.constant 448 : i32
    %add3A_788 = arith.addi %mul3A_2, %add3A_787 : i32
    %dma_start3A_789 = arith.constant 0 : i32
    %dma_start3A_790 = arith.constant 0 : i32
    %dma_start3A_791 = tpu.memref_slice %arg6[%dma_start3A_790] : memref<2x!tpu.dma_semaphore, #tpu.memory_space<semaphore_mem>> -> memref<1x!tpu.dma_semaphore, #tpu.memory_space<semaphore_mem>>
    %dma_start3A_792 = tpu.memref_squeeze %dma_start3A_791 : memref<1x!tpu.dma_semaphore, #tpu.memory_space<semaphore_mem>> -> memref<!tpu.dma_semaphore, #tpu.memory_space<semaphore_mem>>
    %dma_start3A_793 = arith.constant 0 : i32
    %dma_start3A_794 = arith.constant 0 : i32
    %dma_start3A_795 = tpu.memref_slice %arg4[%arg1, %dma_start3A_789, %dma_start3A_793, %dma_start3A_794] : memref<16x1x32x2048xf32, #tpu.memory_space<vmem_shared>> -> memref<1x1x32x2048xf32, #tpu.memory_space<vmem_shared>>
    %dma_start3A_796 = tpu.memref_squeeze %dma_start3A_795 : memref<1x1x32x2048xf32, #tpu.memory_space<vmem_shared>> -> memref<32x2048xf32, #tpu.memory_space<vmem_shared>>
    %dma_start3A_797 = arith.constant 0 : i32
    %dma_start3A_798 = tpu.memref_slice %arg2[%add3A_788, %dma_start3A_797] : memref<16384x2048xf32, #tpu.memory_space<hbm>> -> memref<32x2048xf32, #tpu.memory_space<hbm>>
    tpu.enqueue_dma source(%dma_start3A_798 : memref<32x2048xf32, #tpu.memory_space<hbm>>) target(%dma_start3A_796 : memref<32x2048xf32, #tpu.memory_space<vmem_shared>>) target_semaphore(%dma_start3A_792 : memref<!tpu.dma_semaphore, #tpu.memory_space<semaphore_mem>>)
    %add3A_799 = arith.constant 416 : i32
    %add3A_800 = arith.addi %mul3A_2, %add3A_799 : i32
    %dma_wait3A_801 = arith.constant 0 : i32
    %dma_wait3A_802 = arith.constant 1 : i32
    %dma_wait3A_803 = arith.constant 0 : i32
    %dma_wait3A_804 = arith.constant 0 : i32
    %dma_wait3A_805 = tpu.memref_slice %arg5[%dma_wait3A_801, %dma_wait3A_803, %dma_wait3A_804] : memref<1x32x2048xf32, #tpu.memory_space<vmem>> -> memref<1x32x2048xf32, #tpu.memory_space<vmem>>
    %dma_wait3A_806 = tpu.memref_squeeze %dma_wait3A_805 : memref<1x32x2048xf32, #tpu.memory_space<vmem>> -> memref<32x2048xf32, #tpu.memory_space<vmem>>
    %dma_wait3A_807 = arith.constant 0 : i32
    %dma_wait3A_808 = tpu.memref_slice %arg2[%add3A_800, %dma_wait3A_807] : memref<16384x2048xf32, #tpu.memory_space<hbm>> -> memref<32x2048xf32, #tpu.memory_space<hbm>>
    %dma_wait3A_809 = tpu.memref_slice %arg6[%dma_wait3A_802] : memref<2x!tpu.dma_semaphore, #tpu.memory_space<semaphore_mem>> -> memref<1x!tpu.dma_semaphore, #tpu.memory_space<semaphore_mem>>
    %dma_wait3A_810 = tpu.memref_squeeze %dma_wait3A_809 : memref<1x!tpu.dma_semaphore, #tpu.memory_space<semaphore_mem>> -> memref<!tpu.dma_semaphore, #tpu.memory_space<semaphore_mem>>
    %dma_wait3A_811 = arith.constant 0 : i32
    %dma_wait3A_812 = arith.constant 0 : i32
    %dma_wait3A_813 = tpu.memref_slice %arg5[%dma_wait3A_801, %dma_wait3A_811, %dma_wait3A_812] : memref<1x32x2048xf32, #tpu.memory_space<vmem>> -> memref<1x32x2048xf32, #tpu.memory_space<vmem>>
    %dma_wait3A_814 = tpu.memref_squeeze %dma_wait3A_813 : memref<1x32x2048xf32, #tpu.memory_space<vmem>> -> memref<32x2048xf32, #tpu.memory_space<vmem>>
    %dma_wait3A_815 = arith.constant 0 : i32
    %dma_wait3A_816 = tpu.memref_slice %arg2[%add3A_800, %dma_wait3A_815] : memref<16384x2048xf32, #tpu.memory_space<hbm>> -> memref<32x2048xf32, #tpu.memory_space<hbm>>
    tpu.wait_dma2 semaphore(%dma_wait3A_810 : memref<!tpu.dma_semaphore, #tpu.memory_space<semaphore_mem>>) src(%dma_wait3A_816 : memref<32x2048xf32, #tpu.memory_space<hbm>>) dst(%dma_wait3A_814 : memref<32x2048xf32, #tpu.memory_space<vmem>>)
    %add3A_817 = arith.constant 416 : i32
    %add3A_818 = arith.addi %mul3A_2, %add3A_817 : i32
    %dma_start3A_819 = arith.constant 0 : i32
    %dma_start3A_820 = arith.constant 1 : i32
    %dma_start3A_821 = arith.constant 0 : i32
    %dma_start3A_822 = arith.constant 0 : i32
    %dma_start3A_823 = tpu.memref_slice %arg5[%dma_start3A_819, %dma_start3A_821, %dma_start3A_822] : memref<1x32x2048xf32, #tpu.memory_space<vmem>> -> memref<1x32x2048xf32, #tpu.memory_space<vmem>>
    %dma_start3A_824 = tpu.memref_squeeze %dma_start3A_823 : memref<1x32x2048xf32, #tpu.memory_space<vmem>> -> memref<32x2048xf32, #tpu.memory_space<vmem>>
    %dma_start3A_825 = arith.constant 0 : i32
    %dma_start3A_826 = tpu.memref_slice %arg3[%add3A_818, %dma_start3A_825] : memref<16384x2048xf32, #tpu.memory_space<hbm>> -> memref<32x2048xf32, #tpu.memory_space<hbm>>
    %dma_start3A_827 = tpu.memref_slice %arg7[%dma_start3A_820] : memref<2x!tpu.dma_semaphore, #tpu.memory_space<semaphore_mem>> -> memref<1x!tpu.dma_semaphore, #tpu.memory_space<semaphore_mem>>
    %dma_start3A_828 = tpu.memref_squeeze %dma_start3A_827 : memref<1x!tpu.dma_semaphore, #tpu.memory_space<semaphore_mem>> -> memref<!tpu.dma_semaphore, #tpu.memory_space<semaphore_mem>>
    %dma_start3A_829 = arith.constant 0 : i32
    %dma_start3A_830 = tpu.memref_slice %arg3[%add3A_818, %dma_start3A_829] : memref<16384x2048xf32, #tpu.memory_space<hbm>> -> memref<32x2048xf32, #tpu.memory_space<hbm>>
    %dma_start3A_831 = arith.constant 0 : i32
    %dma_start3A_832 = arith.constant 0 : i32
    %dma_start3A_833 = tpu.memref_slice %arg5[%dma_start3A_819, %dma_start3A_831, %dma_start3A_832] : memref<1x32x2048xf32, #tpu.memory_space<vmem>> -> memref<1x32x2048xf32, #tpu.memory_space<vmem>>
    %dma_start3A_834 = tpu.memref_squeeze %dma_start3A_833 : memref<1x32x2048xf32, #tpu.memory_space<vmem>> -> memref<32x2048xf32, #tpu.memory_space<vmem>>
    tpu.enqueue_dma source(%dma_start3A_834 : memref<32x2048xf32, #tpu.memory_space<vmem>>) target(%dma_start3A_830 : memref<32x2048xf32, #tpu.memory_space<hbm>>) target_semaphore(%dma_start3A_828 : memref<!tpu.dma_semaphore, #tpu.memory_space<semaphore_mem>>)
    %add3A_835 = arith.constant 416 : i32
    %add3A_836 = arith.addi %mul3A_2, %add3A_835 : i32
    %dma_wait3A_837 = arith.constant 0 : i32
    %dma_wait3A_838 = arith.constant 1 : i32
    %dma_wait3A_839 = arith.constant 0 : i32
    %dma_wait3A_840 = arith.constant 0 : i32
    %dma_wait3A_841 = tpu.memref_slice %arg5[%dma_wait3A_837, %dma_wait3A_839, %dma_wait3A_840] : memref<1x32x2048xf32, #tpu.memory_space<vmem>> -> memref<1x32x2048xf32, #tpu.memory_space<vmem>>
    %dma_wait3A_842 = tpu.memref_squeeze %dma_wait3A_841 : memref<1x32x2048xf32, #tpu.memory_space<vmem>> -> memref<32x2048xf32, #tpu.memory_space<vmem>>
    %dma_wait3A_843 = arith.constant 0 : i32
    %dma_wait3A_844 = tpu.memref_slice %arg3[%add3A_836, %dma_wait3A_843] : memref<16384x2048xf32, #tpu.memory_space<hbm>> -> memref<32x2048xf32, #tpu.memory_space<hbm>>
    %dma_wait3A_845 = tpu.memref_slice %arg7[%dma_wait3A_838] : memref<2x!tpu.dma_semaphore, #tpu.memory_space<semaphore_mem>> -> memref<1x!tpu.dma_semaphore, #tpu.memory_space<semaphore_mem>>
    %dma_wait3A_846 = tpu.memref_squeeze %dma_wait3A_845 : memref<1x!tpu.dma_semaphore, #tpu.memory_space<semaphore_mem>> -> memref<!tpu.dma_semaphore, #tpu.memory_space<semaphore_mem>>
    %dma_wait3A_847 = arith.constant 0 : i32
    %dma_wait3A_848 = tpu.memref_slice %arg3[%add3A_836, %dma_wait3A_847] : memref<16384x2048xf32, #tpu.memory_space<hbm>> -> memref<32x2048xf32, #tpu.memory_space<hbm>>
    %dma_wait3A_849 = arith.constant 0 : i32
    %dma_wait3A_850 = arith.constant 0 : i32
    %dma_wait3A_851 = tpu.memref_slice %arg5[%dma_wait3A_837, %dma_wait3A_849, %dma_wait3A_850] : memref<1x32x2048xf32, #tpu.memory_space<vmem>> -> memref<1x32x2048xf32, #tpu.memory_space<vmem>>
    %dma_wait3A_852 = tpu.memref_squeeze %dma_wait3A_851 : memref<1x32x2048xf32, #tpu.memory_space<vmem>> -> memref<32x2048xf32, #tpu.memory_space<vmem>>
    tpu.wait_dma2 semaphore(%dma_wait3A_846 : memref<!tpu.dma_semaphore, #tpu.memory_space<semaphore_mem>>) src(%dma_wait3A_852 : memref<32x2048xf32, #tpu.memory_space<vmem>>) dst(%dma_wait3A_848 : memref<32x2048xf32, #tpu.memory_space<hbm>>)
    %add3A_853 = arith.constant 480 : i32
    %add3A_854 = arith.addi %mul3A_2, %add3A_853 : i32
    %dma_start3A_855 = arith.constant 0 : i32
    %dma_start3A_856 = arith.constant 1 : i32
    %dma_start3A_857 = arith.constant 0 : i32
    %dma_start3A_858 = arith.constant 0 : i32
    %dma_start3A_859 = tpu.memref_slice %arg5[%dma_start3A_855, %dma_start3A_857, %dma_start3A_858] : memref<1x32x2048xf32, #tpu.memory_space<vmem>> -> memref<1x32x2048xf32, #tpu.memory_space<vmem>>
    %dma_start3A_860 = tpu.memref_squeeze %dma_start3A_859 : memref<1x32x2048xf32, #tpu.memory_space<vmem>> -> memref<32x2048xf32, #tpu.memory_space<vmem>>
    %dma_start3A_861 = arith.constant 0 : i32
    %dma_start3A_862 = tpu.memref_slice %arg2[%add3A_854, %dma_start3A_861] : memref<16384x2048xf32, #tpu.memory_space<hbm>> -> memref<32x2048xf32, #tpu.memory_space<hbm>>
    %dma_start3A_863 = tpu.memref_slice %arg6[%dma_start3A_856] : memref<2x!tpu.dma_semaphore, #tpu.memory_space<semaphore_mem>> -> memref<1x!tpu.dma_semaphore, #tpu.memory_space<semaphore_mem>>
    %dma_start3A_864 = tpu.memref_squeeze %dma_start3A_863 : memref<1x!tpu.dma_semaphore, #tpu.memory_space<semaphore_mem>> -> memref<!tpu.dma_semaphore, #tpu.memory_space<semaphore_mem>>
    %dma_start3A_865 = arith.constant 0 : i32
    %dma_start3A_866 = arith.constant 0 : i32
    %dma_start3A_867 = tpu.memref_slice %arg5[%dma_start3A_855, %dma_start3A_865, %dma_start3A_866] : memref<1x32x2048xf32, #tpu.memory_space<vmem>> -> memref<1x32x2048xf32, #tpu.memory_space<vmem>>
    %dma_start3A_868 = tpu.memref_squeeze %dma_start3A_867 : memref<1x32x2048xf32, #tpu.memory_space<vmem>> -> memref<32x2048xf32, #tpu.memory_space<vmem>>
    %dma_start3A_869 = arith.constant 0 : i32
    %dma_start3A_870 = tpu.memref_slice %arg2[%add3A_854, %dma_start3A_869] : memref<16384x2048xf32, #tpu.memory_space<hbm>> -> memref<32x2048xf32, #tpu.memory_space<hbm>>
    tpu.enqueue_dma source(%dma_start3A_870 : memref<32x2048xf32, #tpu.memory_space<hbm>>) target(%dma_start3A_868 : memref<32x2048xf32, #tpu.memory_space<vmem>>) target_semaphore(%dma_start3A_864 : memref<!tpu.dma_semaphore, #tpu.memory_space<semaphore_mem>>)
    %add3A_871 = arith.constant 448 : i32
    %add3A_872 = arith.addi %mul3A_2, %add3A_871 : i32
    %dma_wait3A_873 = arith.constant 0 : i32
    %dma_wait3A_874 = arith.constant 0 : i32
    %dma_wait3A_875 = tpu.memref_slice %arg6[%dma_wait3A_874] : memref<2x!tpu.dma_semaphore, #tpu.memory_space<semaphore_mem>> -> memref<1x!tpu.dma_semaphore, #tpu.memory_space<semaphore_mem>>
    %dma_wait3A_876 = tpu.memref_squeeze %dma_wait3A_875 : memref<1x!tpu.dma_semaphore, #tpu.memory_space<semaphore_mem>> -> memref<!tpu.dma_semaphore, #tpu.memory_space<semaphore_mem>>
    %dma_wait3A_877 = arith.constant 0 : i32
    %dma_wait3A_878 = arith.constant 0 : i32
    %dma_wait3A_879 = tpu.memref_slice %arg4[%arg1, %dma_wait3A_873, %dma_wait3A_877, %dma_wait3A_878] : memref<16x1x32x2048xf32, #tpu.memory_space<vmem_shared>> -> memref<1x1x32x2048xf32, #tpu.memory_space<vmem_shared>>
    %dma_wait3A_880 = tpu.memref_squeeze %dma_wait3A_879 : memref<1x1x32x2048xf32, #tpu.memory_space<vmem_shared>> -> memref<32x2048xf32, #tpu.memory_space<vmem_shared>>
    %dma_wait3A_881 = arith.constant 0 : i32
    %dma_wait3A_882 = tpu.memref_slice %arg2[%add3A_872, %dma_wait3A_881] : memref<16384x2048xf32, #tpu.memory_space<hbm>> -> memref<32x2048xf32, #tpu.memory_space<hbm>>
    tpu.wait_dma2 semaphore(%dma_wait3A_876 : memref<!tpu.dma_semaphore, #tpu.memory_space<semaphore_mem>>) src(%dma_wait3A_882 : memref<32x2048xf32, #tpu.memory_space<hbm>>) dst(%dma_wait3A_880 : memref<32x2048xf32, #tpu.memory_space<vmem_shared>>)
    %add3A_883 = arith.constant 448 : i32
    %add3A_884 = arith.addi %mul3A_2, %add3A_883 : i32
    %dma_start3A_885 = arith.constant 0 : i32
    %dma_start3A_886 = arith.constant 0 : i32
    %dma_start3A_887 = tpu.memref_slice %arg7[%dma_start3A_886] : memref<2x!tpu.dma_semaphore, #tpu.memory_space<semaphore_mem>> -> memref<1x!tpu.dma_semaphore, #tpu.memory_space<semaphore_mem>>
    %dma_start3A_888 = tpu.memref_squeeze %dma_start3A_887 : memref<1x!tpu.dma_semaphore, #tpu.memory_space<semaphore_mem>> -> memref<!tpu.dma_semaphore, #tpu.memory_space<semaphore_mem>>
    %dma_start3A_889 = arith.constant 0 : i32
    %dma_start3A_890 = tpu.memref_slice %arg3[%add3A_884, %dma_start3A_889] : memref<16384x2048xf32, #tpu.memory_space<hbm>> -> memref<32x2048xf32, #tpu.memory_space<hbm>>
    %dma_start3A_891 = arith.constant 0 : i32
    %dma_start3A_892 = arith.constant 0 : i32
    %dma_start3A_893 = tpu.memref_slice %arg4[%arg1, %dma_start3A_885, %dma_start3A_891, %dma_start3A_892] : memref<16x1x32x2048xf32, #tpu.memory_space<vmem_shared>> -> memref<1x1x32x2048xf32, #tpu.memory_space<vmem_shared>>
    %dma_start3A_894 = tpu.memref_squeeze %dma_start3A_893 : memref<1x1x32x2048xf32, #tpu.memory_space<vmem_shared>> -> memref<32x2048xf32, #tpu.memory_space<vmem_shared>>
    tpu.enqueue_dma source(%dma_start3A_894 : memref<32x2048xf32, #tpu.memory_space<vmem_shared>>) target(%dma_start3A_890 : memref<32x2048xf32, #tpu.memory_space<hbm>>) target_semaphore(%dma_start3A_888 : memref<!tpu.dma_semaphore, #tpu.memory_space<semaphore_mem>>)
    %add3A_895 = arith.constant 448 : i32
    %add3A_896 = arith.addi %mul3A_2, %add3A_895 : i32
    %dma_wait3A_897 = arith.constant 0 : i32
    %dma_wait3A_898 = arith.constant 0 : i32
    %dma_wait3A_899 = tpu.memref_slice %arg7[%dma_wait3A_898] : memref<2x!tpu.dma_semaphore, #tpu.memory_space<semaphore_mem>> -> memref<1x!tpu.dma_semaphore, #tpu.memory_space<semaphore_mem>>
    %dma_wait3A_900 = tpu.memref_squeeze %dma_wait3A_899 : memref<1x!tpu.dma_semaphore, #tpu.memory_space<semaphore_mem>> -> memref<!tpu.dma_semaphore, #tpu.memory_space<semaphore_mem>>
    %dma_wait3A_901 = arith.constant 0 : i32
    %dma_wait3A_902 = tpu.memref_slice %arg3[%add3A_896, %dma_wait3A_901] : memref<16384x2048xf32, #tpu.memory_space<hbm>> -> memref<32x2048xf32, #tpu.memory_space<hbm>>
    %dma_wait3A_903 = arith.constant 0 : i32
    %dma_wait3A_904 = arith.constant 0 : i32
    %dma_wait3A_905 = tpu.memref_slice %arg4[%arg1, %dma_wait3A_897, %dma_wait3A_903, %dma_wait3A_904] : memref<16x1x32x2048xf32, #tpu.memory_space<vmem_shared>> -> memref<1x1x32x2048xf32, #tpu.memory_space<vmem_shared>>
    %dma_wait3A_906 = tpu.memref_squeeze %dma_wait3A_905 : memref<1x1x32x2048xf32, #tpu.memory_space<vmem_shared>> -> memref<32x2048xf32, #tpu.memory_space<vmem_shared>>
    tpu.wait_dma2 semaphore(%dma_wait3A_900 : memref<!tpu.dma_semaphore, #tpu.memory_space<semaphore_mem>>) src(%dma_wait3A_906 : memref<32x2048xf32, #tpu.memory_space<vmem_shared>>) dst(%dma_wait3A_902 : memref<32x2048xf32, #tpu.memory_space<hbm>>)
    %add3A_907 = arith.constant 480 : i32
    %add3A_908 = arith.addi %mul3A_2, %add3A_907 : i32
    %dma_wait3A_909 = arith.constant 0 : i32
    %dma_wait3A_910 = arith.constant 1 : i32
    %dma_wait3A_911 = arith.constant 0 : i32
    %dma_wait3A_912 = arith.constant 0 : i32
    %dma_wait3A_913 = tpu.memref_slice %arg5[%dma_wait3A_909, %dma_wait3A_911, %dma_wait3A_912] : memref<1x32x2048xf32, #tpu.memory_space<vmem>> -> memref<1x32x2048xf32, #tpu.memory_space<vmem>>
    %dma_wait3A_914 = tpu.memref_squeeze %dma_wait3A_913 : memref<1x32x2048xf32, #tpu.memory_space<vmem>> -> memref<32x2048xf32, #tpu.memory_space<vmem>>
    %dma_wait3A_915 = arith.constant 0 : i32
    %dma_wait3A_916 = tpu.memref_slice %arg2[%add3A_908, %dma_wait3A_915] : memref<16384x2048xf32, #tpu.memory_space<hbm>> -> memref<32x2048xf32, #tpu.memory_space<hbm>>
    %dma_wait3A_917 = tpu.memref_slice %arg6[%dma_wait3A_910] : memref<2x!tpu.dma_semaphore, #tpu.memory_space<semaphore_mem>> -> memref<1x!tpu.dma_semaphore, #tpu.memory_space<semaphore_mem>>
    %dma_wait3A_918 = tpu.memref_squeeze %dma_wait3A_917 : memref<1x!tpu.dma_semaphore, #tpu.memory_space<semaphore_mem>> -> memref<!tpu.dma_semaphore, #tpu.memory_space<semaphore_mem>>
    %dma_wait3A_919 = arith.constant 0 : i32
    %dma_wait3A_920 = arith.constant 0 : i32
    %dma_wait3A_921 = tpu.memref_slice %arg5[%dma_wait3A_909, %dma_wait3A_919, %dma_wait3A_920] : memref<1x32x2048xf32, #tpu.memory_space<vmem>> -> memref<1x32x2048xf32, #tpu.memory_space<vmem>>
    %dma_wait3A_922 = tpu.memref_squeeze %dma_wait3A_921 : memref<1x32x2048xf32, #tpu.memory_space<vmem>> -> memref<32x2048xf32, #tpu.memory_space<vmem>>
    %dma_wait3A_923 = arith.constant 0 : i32
    %dma_wait3A_924 = tpu.memref_slice %arg2[%add3A_908, %dma_wait3A_923] : memref<16384x2048xf32, #tpu.memory_space<hbm>> -> memref<32x2048xf32, #tpu.memory_space<hbm>>
    tpu.wait_dma2 semaphore(%dma_wait3A_918 : memref<!tpu.dma_semaphore, #tpu.memory_space<semaphore_mem>>) src(%dma_wait3A_924 : memref<32x2048xf32, #tpu.memory_space<hbm>>) dst(%dma_wait3A_922 : memref<32x2048xf32, #tpu.memory_space<vmem>>)
    %add3A_925 = arith.constant 480 : i32
    %add3A_926 = arith.addi %mul3A_2, %add3A_925 : i32
    %dma_start3A_927 = arith.constant 0 : i32
    %dma_start3A_928 = arith.constant 1 : i32
    %dma_start3A_929 = arith.constant 0 : i32
    %dma_start3A_930 = arith.constant 0 : i32
    %dma_start3A_931 = tpu.memref_slice %arg5[%dma_start3A_927, %dma_start3A_929, %dma_start3A_930] : memref<1x32x2048xf32, #tpu.memory_space<vmem>> -> memref<1x32x2048xf32, #tpu.memory_space<vmem>>
    %dma_start3A_932 = tpu.memref_squeeze %dma_start3A_931 : memref<1x32x2048xf32, #tpu.memory_space<vmem>> -> memref<32x2048xf32, #tpu.memory_space<vmem>>
    %dma_start3A_933 = arith.constant 0 : i32
    %dma_start3A_934 = tpu.memref_slice %arg3[%add3A_926, %dma_start3A_933] : memref<16384x2048xf32, #tpu.memory_space<hbm>> -> memref<32x2048xf32, #tpu.memory_space<hbm>>
    %dma_start3A_935 = tpu.memref_slice %arg7[%dma_start3A_928] : memref<2x!tpu.dma_semaphore, #tpu.memory_space<semaphore_mem>> -> memref<1x!tpu.dma_semaphore, #tpu.memory_space<semaphore_mem>>
    %dma_start3A_936 = tpu.memref_squeeze %dma_start3A_935 : memref<1x!tpu.dma_semaphore, #tpu.memory_space<semaphore_mem>> -> memref<!tpu.dma_semaphore, #tpu.memory_space<semaphore_mem>>
    %dma_start3A_937 = arith.constant 0 : i32
    %dma_start3A_938 = tpu.memref_slice %arg3[%add3A_926, %dma_start3A_937] : memref<16384x2048xf32, #tpu.memory_space<hbm>> -> memref<32x2048xf32, #tpu.memory_space<hbm>>
    %dma_start3A_939 = arith.constant 0 : i32
    %dma_start3A_940 = arith.constant 0 : i32
    %dma_start3A_941 = tpu.memref_slice %arg5[%dma_start3A_927, %dma_start3A_939, %dma_start3A_940] : memref<1x32x2048xf32, #tpu.memory_space<vmem>> -> memref<1x32x2048xf32, #tpu.memory_space<vmem>>
    %dma_start3A_942 = tpu.memref_squeeze %dma_start3A_941 : memref<1x32x2048xf32, #tpu.memory_space<vmem>> -> memref<32x2048xf32, #tpu.memory_space<vmem>>
    tpu.enqueue_dma source(%dma_start3A_942 : memref<32x2048xf32, #tpu.memory_space<vmem>>) target(%dma_start3A_938 : memref<32x2048xf32, #tpu.memory_space<hbm>>) target_semaphore(%dma_start3A_936 : memref<!tpu.dma_semaphore, #tpu.memory_space<semaphore_mem>>)
    %add3A_943 = arith.constant 480 : i32
    %add3A_944 = arith.addi %mul3A_2, %add3A_943 : i32
    %dma_wait3A_945 = arith.constant 0 : i32
    %dma_wait3A_946 = arith.constant 1 : i32
    %dma_wait3A_947 = arith.constant 0 : i32
    %dma_wait3A_948 = arith.constant 0 : i32
    %dma_wait3A_949 = tpu.memref_slice %arg5[%dma_wait3A_945, %dma_wait3A_947, %dma_wait3A_948] : memref<1x32x2048xf32, #tpu.memory_space<vmem>> -> memref<1x32x2048xf32, #tpu.memory_space<vmem>>
    %dma_wait3A_950 = tpu.memref_squeeze %dma_wait3A_949 : memref<1x32x2048xf32, #tpu.memory_space<vmem>> -> memref<32x2048xf32, #tpu.memory_space<vmem>>
    %dma_wait3A_951 = arith.constant 0 : i32
    %dma_wait3A_952 = tpu.memref_slice %arg3[%add3A_944, %dma_wait3A_951] : memref<16384x2048xf32, #tpu.memory_space<hbm>> -> memref<32x2048xf32, #tpu.memory_space<hbm>>
    %dma_wait3A_953 = tpu.memref_slice %arg7[%dma_wait3A_946] : memref<2x!tpu.dma_semaphore, #tpu.memory_space<semaphore_mem>> -> memref<1x!tpu.dma_semaphore, #tpu.memory_space<semaphore_mem>>
    %dma_wait3A_954 = tpu.memref_squeeze %dma_wait3A_953 : memref<1x!tpu.dma_semaphore, #tpu.memory_space<semaphore_mem>> -> memref<!tpu.dma_semaphore, #tpu.memory_space<semaphore_mem>>
    %dma_wait3A_955 = arith.constant 0 : i32
    %dma_wait3A_956 = tpu.memref_slice %arg3[%add3A_944, %dma_wait3A_955] : memref<16384x2048xf32, #tpu.memory_space<hbm>> -> memref<32x2048xf32, #tpu.memory_space<hbm>>
    %dma_wait3A_957 = arith.constant 0 : i32
    %dma_wait3A_958 = arith.constant 0 : i32
    %dma_wait3A_959 = tpu.memref_slice %arg5[%dma_wait3A_945, %dma_wait3A_957, %dma_wait3A_958] : memref<1x32x2048xf32, #tpu.memory_space<vmem>> -> memref<1x32x2048xf32, #tpu.memory_space<vmem>>
    %dma_wait3A_960 = tpu.memref_squeeze %dma_wait3A_959 : memref<1x32x2048xf32, #tpu.memory_space<vmem>> -> memref<32x2048xf32, #tpu.memory_space<vmem>>
    tpu.wait_dma2 semaphore(%dma_wait3A_954 : memref<!tpu.dma_semaphore, #tpu.memory_space<semaphore_mem>>) src(%dma_wait3A_960 : memref<32x2048xf32, #tpu.memory_space<vmem>>) dst(%dma_wait3A_956 : memref<32x2048xf32, #tpu.memory_space<hbm>>)
    return
  }
}

</mosaic_0001>

<sc_bundles>
// kernel: kernel.3.cloned.1.call-start
scs
__scs_entry_jumppad:
0x0: {  	(pc) =	sbr.rel $0x88, $3  }
0x1: {  	(tag) =	ssettag $0x0;
	lr =	simm.s32 $0x1  }
0x2: {  	[smem:$0x3FA0] =	sst lr;
	_ =	strace $0xD0000000  }
0x3: {  	_ = 	snop  }
0x4: {  	_ = 	snop  }
0x5: {  	_ = 	snop  }
0x6: {  	_ = 	snop  }
0x7: {  	_ = 	snop  }
__scs_overlays_trampoline_lowered:
0x8: {  	[smem:$0x3FAF] =	sst s0  }
0x9: {  	[smem:$0x3FB0] =	sst s1  }
0xa: {  	[smem:$0x3FB1] =	sst s2  }
0xb: {  	[smem:$0x3FB2] =	sst s3  }
0xc: {  	[smem:$0x3FB3] =	sst s4  }
0xd: {  	[smem:$0x3FB4] =	sst s5  }
0xe: {  	[smem:$0x3FB5] =	sst s6  }
0xf: {  	[smem:$0x3FB6] =	sst s7  }
0x10: {  	[smem:$0x3FB7] =	sst s8  }
0x11: {  	[smem:$0x3FB8] =	sst s9;
	s0 =	simm.s32 @!p0 $0x0  }
0x12: {  	s1 =	sld [smem:$0x3F9E];
	s0 =	simm.s32 @p0 $0x1  }
0x13: {  	[smem:$0x3FB9] =	sst s0;
	s0 =	simm.s32 @!p1 $0x0  }
0x14: {  	s2 =	sld [smem:$0x3F9D];
	s0 =	simm.s32 @p1 $0x1  }
0x15: {  	[smem:$0x3FBA] =	sst s0;
	s0 =	simm.s32 @!p2 $0x0  }
0x16: {  	s3 =	sld [smem:$0x3FDB];
	s0 =	simm.s32 @p2 $0x1  }
0x17: {  	s4 =	simm.s32 $0x1BF5;
	[smem:$0x3FBC] =	sst s0  }
0x18: {  	s0 =	sld [smem:$0x3F9F];
	_ =	swait.ge [sflag:s4], $0x0  }
0x19: {  	s7 =	sld [smem:$0x3FA0]  }
0x1a: {  	s8 =	sadd.s32 $0xFFFFE003, lr  }
0x1b: {  	s9 =	sadd.s32 $0xFFFFFEF7, lr;
	s5 =	simm.s32 $0xFFFFFFFF;
	p2 =	slt.u32 s8, $0xFFFFF086  }
0x1c: {  	p1 =	slt.u32 s9, $0xF7A;
	s5 =	simm.s32 @!p2 $0x0  }
0x1d: {  	s5 =	simm.s32 @p1 $0x1;
	p0 =	seq.s32 s7, s2  }
0x1e: {  	s7 =	smul.u32 @!p0 $0xF7A, s2;
	p2 =	seq.s32 @!p0 s5, $0x0  }
0x1f: {  	s9 =	smul.u32 $0xF7A, s1;
	s8 =	simm.s32 @!p0 $0x1BF5;
	p2 =	por !p2, p0  }
0x20: {  	[sflag:s8] =	ssyncset.s32 @!p0 $0xFFFFF086;
	s6 =	sadd.s32 @!p0 s3, s7;
	s7 =	simm.s32 @!p0 $0x108  }
0x21: {  	s3 =	sadd.s32 s3, s9;
	s6 =	sadd.s32 @!p0 $0x88, s6;
	s7 =	simm.s32 @p2 $0x1082  }
0x22: {  	[simem:s7], [sflag:s8] =	dma.local @!p0 [hbm:s6], $0xF7A  }
0x23: {  	s9 =	sor.u32 $0xD0000000, s2;
	s6 =	simm.s32 $0x108;
	_ =	swait.ge @!p0 [sflag:s8], $0x0  }
0x24: {  	s3 =	sadd.s32 $0x88, s3;
	s6 =	simm.s32 @!p1 $0x1082;
	[sflag:s4] =	ssyncset.s32 $0xFFFFF086  }
0x25: {  	[simem:s6], [sflag:s4] =	dma.local [hbm:s3], $0xF7A  }
0x26: {  	[smem:$0x3FA0] =	sst s1;
	(tag) =	ssettag s2;
	_ =	strace s9  }
0x27: {  	s1 =	sld [smem:$0x3FB0]  }
0x28: {  	s2 =	sld [smem:$0x3FB1]  }
0x29: {  	s4 =	sld [smem:$0x3FB3]  }
0x2a: {  	p0 =	seq.s32 s5, $0x0;
	s5 =	sld [smem:$0x3FB4]  }
0x2b: {  	s6 =	sld [smem:$0x3FB5]  }
0x2c: {  	s7 =	sld [smem:$0x3FB6]  }
0x2d: {  	s3 =	simm.s32 $0x108;
	s8 =	sld [smem:$0x3FB7]  }
0x2e: {  	s3 =	simm.s32 @!p0 $0x1082;
	s9 =	sld [smem:$0x3FB8]  }
0x2f: {  	lr =	sadd.s32 s0, s3;
	s0 =	sld [smem:$0x3FAF]  }
0x30: {  	s3 =	sld [smem:$0x3FB2]  }
0x31: {  	[smem:$0x3FBB] =	sst s10  }
0x32: {  	s10 =	sld [smem:$0x3FB9];
	_ =	sdelay $0x3  }
0x33: {  	p0 =	seq.s32 s10, $0x1;
	s10 =	sld [smem:$0x3FBB];
	_ =	sdelay $0x3  }
0x34: {  	[smem:$0x3FBB] =	sst s10  }
0x35: {  	s10 =	sld [smem:$0x3FBA];
	_ =	sdelay $0x3  }
0x36: {  	p1 =	seq.s32 s10, $0x1;
	s10 =	sld [smem:$0x3FBB];
	_ =	sdelay $0x3  }
0x37: {  	[smem:$0x3FBB] =	sst s10  }
0x38: {  	s10 =	sld [smem:$0x3FBC]  }
0x39: {  	_ = 	snop;
	(pc) =	sbr.ind lr, $3  }
0x3a: {  	_ = 	snop  }
0x3b: {  	_ = 	snop  }
0x3c: {  	p2 =	seq.s32 s10, $0x1;
	s10 =	sld [smem:$0x3FBB]  }
0x3d: {  	_ =	shalt  }
0x3e: {  	_ =	shalt  }
0x3f: {  	_ =	shalt  }
0x40: {  	_ =	shalt  }
0x41: {  	_ =	shalt  }
0x42: {  	_ =	shalt  }
0x43: {  	_ =	shalt  }
0x44: {  	_ =	shalt  }
0x45: {  	_ =	shalt  }
0x46: {  	_ =	shalt  }
0x47: {  	_ =	shalt  }
0x48: {  	_ =	shalt  }
0x49: {  	_ =	shalt  }
0x4a: {  	_ =	shalt  }
0x4b: {  	_ =	shalt  }
0x4c: {  	_ =	shalt  }
0x4d: {  	_ =	shalt  }
0x4e: {  	_ =	shalt  }
0x4f: {  	_ =	shalt  }
0x50: {  	_ =	shalt  }
0x51: {  	_ =	shalt  }
0x52: {  	_ =	shalt  }
0x53: {  	_ =	shalt  }
0x54: {  	_ =	shalt  }
0x55: {  	_ =	shalt  }
0x56: {  	_ =	shalt  }
0x57: {  	_ =	shalt  }
0x58: {  	_ =	shalt  }
0x59: {  	_ =	shalt  }
0x5a: {  	_ =	shalt  }
0x5b: {  	_ =	shalt  }
0x5c: {  	_ =	shalt  }
0x5d: {  	_ =	shalt  }
0x5e: {  	_ =	shalt  }
0x5f: {  	_ =	shalt  }
0x60: {  	_ =	shalt  }
0x61: {  	_ =	shalt  }
0x62: {  	_ =	shalt  }
0x63: {  	_ =	shalt  }
0x64: {  	_ =	shalt  }
0x65: {  	_ =	shalt  }
0x66: {  	_ =	shalt  }
0x67: {  	_ =	shalt  }
0x68: {  	_ =	shalt  }
0x69: {  	_ =	shalt  }
0x6a: {  	_ =	shalt  }
0x6b: {  	_ =	shalt  }
0x6c: {  	_ =	shalt  }
0x6d: {  	_ =	shalt  }
0x6e: {  	_ =	shalt  }
0x6f: {  	_ =	shalt  }
0x70: {  	_ =	shalt  }
0x71: {  	_ =	shalt  }
0x72: {  	_ =	shalt  }
0x73: {  	_ =	shalt  }
0x74: {  	_ =	shalt  }
0x75: {  	_ =	shalt  }
0x76: {  	_ =	shalt  }
0x77: {  	_ =	shalt  }
0x78: {  	_ =	shalt  }
0x79: {  	_ =	shalt  }
0x7a: {  	_ =	shalt  }
0x7b: {  	_ =	shalt  }
0x7c: {  	_ =	shalt  }
0x7d: {  	_ =	shalt  }
0x7e: {  	_ =	shalt  }
0x7f: {  	_ =	shalt  }
0x80: {  	_ =	shalt  }
0x81: {  	_ =	shalt  }
0x82: {  	_ =	shalt  }
0x83: {  	_ =	shalt  }
0x84: {  	_ =	shalt  }
0x85: {  	_ =	shalt  }
0x86: {  	_ =	shalt  }
0x87: {  	_ =	shalt  }
.Lfunc_end0:
.L_simem_size_0:
called_computation_lowered:
.L_overlay_start_0:
0x88: {  	s2 =	sld [smem:$0x3FD9]  }
0x89: {  	s3 =	sld [smem:$0x3FFE];
	_ =	sdelay $0x1  }
0x8a: {  	s1 =	srdreg.scid  }
0x8b: {  	s0 =	sand.u32 $0x1, s1  }
0x8c: {  	s18 =	sshll.u32 s0, $0xA;
	s2 =	sadd.s32 s3, s2  }
0x8d: {  	s2 =	sadd.s32 s2, s18  }
0x8e: {  	[smem:$0x3FC7] =	sst s2  }
0x8f: {  	_ = 	snop  }
0x90: {  	s2 =	sld [smem:$0x3FC9]  }
0x91: {  	s19 =	sld [smem:$0x3FD0];
	(tm) =	ssettm $0x1  }
0x92: {  	s4 =	sld [smem:$0x3FFB];
	_ =	sdelay $0x3  }
0x93: {  	_ =	strace s4  }
0x94: {  	s4 =	sld [smem:$0x3FFC];
	_ =	sdelay $0x3  }
0x95: {  	_ =	strace s4  }
0x96: {  	s4 =	sld [smem:$0x3FFD];
	_ =	sdelay $0x3  }
0x97: {  	_ =	strace s4  }
0x98: {  	_ =	strace $0x8FFFFFFF  }
0x99: {  	s20 =	sld [smem:$0x3FDB];
	_ =	sdelay $0x1  }
0x9a: {  	s5 =	simm.s32 $_scs_section_size  }
0x9b: {  	s6 =	simm.s32 $_size__tile_overlayer_lowered;
	s7 =	simm.s32 $_tile_overlayer_lowered  }
0x9c: {  	s23 =	simm.s32 $0x1BFF;
	s22 =	sshll.u32 s7, $0x1;
	s4 =	sadd.s32 s5, s20  }
0x9d: {  	s8 =	simm.s32 $0x0;
	s21 =	sshll.u32 s6, $0x1;
	s6 =	sadd.s32 s22, s4  }
0x9e: {  	[timem:s8], [sflag:s23] =	dma.local [hbm:s6], s21  }
0x9f: {  	_ =	swait.ge [sflag:s23], s21  }
0xa0: {  	s5 =	ssub.s32 $0x0, s21;
	[sflag:s23] =	ssyncset.done $0x0  }
0xa1: {  	[sflag:s23] =	ssyncadd.s32 s5;
	_ =	sdelay $0x1  }
0xa2: {  	s24 =	simm.s32 $0x1B8B  }
0xa3: {  	_ =	swait.ge [sflag:s24], $0x1  }
0xa4: {  	[sflag:s24] =	ssyncset.done $0x0  }
0xa5: {  	s25 =	simm.s32 $0x1B8E;
	[sflag:s24] =	ssyncadd.s32 $0xFFFFFFFF  }
0xa6: {  	s26 =	simm.s32 $execute0_lowered;
	[smem:$0x3FD2] =	sst s25  }
0xa7: {  	s5 =	sshll.u32 s26, $0x1;
	_ =	strace $0x80000046;
	[dreg:$0x1] =	wrdreg $0xFFFFFFFF  }
0xa8: {  	s28 =	simm.s32 $_size_execute0_lowered;
	s4 =	sadd.s32 s4, s5;
	[dreg:$0x0] =	wrdreg $0x0  }
0xa9: {  	s5 =	sshll.u32 s28, $0x1;
	[dreg:$0x2] =	wrdreg s4  }
0xaa: {  	[dreg:$0x3] =	wrdreg s5  }
0xab: {  	[dreg:$0x4] =	wrdreg $0xC0  }
0xac: {  	_ =	task [dreg:s8], $0x5FFFF  }
0xad: {  	[dreg:$0x1] =	wrdreg $0xFFFFFFFF  }
0xae: {  	[dreg:$0x0] =	wrdreg $0x60  }
0xaf: {  	[dreg:$0x2] =	wrdreg s2  }
0xb0: {  	[dreg:$0x3] =	wrdreg s19  }
0xb1: {  	[dreg:$0x4] =	wrdreg $0x0  }
0xb2: {  	[dreg:$0x5] =	wrdreg $0x9  }
0xb3: {  	_ =	task.clear_ibuf [dreg:s8], $0x6FFFF;
	_ =	strace $0x90000046  }
0xb4: {  	s29 =	simm.s32 $0x9;
	_ =	strace $0x80000048  }
0xb5: {  	_ =	swait.ge [sflag:s29], $0x1  }
0xb6: {  	[sflag:s29] =	ssyncadd.s32 $0xFFFFFFFF  }
0xb7: {  	_ =	strace $0x90000048  }
0xb8: {  	_ =	sfence  }
0xb9: {  	s30 =	sld [smem:$0x0];
	_ =	sdelay $0x2  }
0xba: {  	s31 =	sshll.u32 s1, $0xD;
	s1 =	sshrl.u32 s1, $0x2  }
0xbb: {  	s3 =	sand.u32 $0x4000, s31;
	s1 =	sadd.s32 s1, s30  }
0xbc: {  	s0 =	sor.u32 s3, s0;
	s1 =	sshll.u32 s1, $0x11  }
0xbd: {  	s0 =	sor.u32 s1, s0  }
0xbe: {  	s0 =	sadd.s32 $0x8F2B, s0  }
0xbf: {  	[sflag:s0] =	ssyncadd.remote.s32 $0x1  }
0xc0: {  	_ =	sfence.sel $0xFFFF  }
0xc1: {  	[dreg:$0x0] =	wrdreg $0xFFFFFFFF;
	(pc) =	sbr.abs _section_cstart, $3  }
0xc2: {  	[dreg:$0x1] =	wrdreg $0xFFFFFFFF  }
0xc3: {  	_ =	task.clear_ibuf [dreg:s8], $0x2FFFF;
	_ =	strace $0x9FFFFFFF  }
0xc4: {  	(tm) =	ssettm $0x7FFFFFFF  }
0xc5: {  	_ =	shalt  }
tec
execute0_lowered:
.L_overlay_start_1:
0x0: {  	(tag) =	ssettag $0x1  }
0x1: {  	s3 =	rddreg [dreg:$0x0]  }
0x2: {  	s0 =	rddreg [dreg:$0x1]  }
0x3: {  	s1 =	rddreg [dreg:$0x2]  }
0x4: {  	s2 =	srdreg.scid;
	s31 =	rddreg [dreg:$0x3]  }
0x5: {  	s11 =	stileid.u32;
	p0 =	por $0x0, $0x0;
	s5 =	sand.u32 $0x1, s2  }
0x6: {  	s2 =	simm.s32 $0x0;
	s6 =	sshll.u32 s11, $0x12;
	s30 =	sshll.u32 s11, $0x6  }
0x7: {  	s4 =	sshll.u32 s5, $0x11;
	[smem:$0x7FF] =	sst s2;
	s5 =	ssub.s32 $0x2, s5  }
0x8: {  	s4 =	sor.u32 s4, s6;
	_ =	strace $0x80000047;
	s10 =	sshrl.u32 s5, $0x1  }
0x9: {  	s6 =	sshrl.u32 s6, $0x2;
	s7 =	sadd.s32 s3, s4;
	s8 =	sor.u32 $0x2000, s4  }
0xa: {  	s14 =	sadd.s32 s0, s4;
	s9 =	sor.u32 $0x4000, s4;
	s17 =	sor.u32 $0x6000, s4  }
0xb: {  	s20 =	sor.u32 $0x8000, s4;
	s23 =	sor.u32 $0xA000, s4;
	[dreg:$0x4] =	wrdreg s7  }
0xc: {  	s5 =	ssub.s32 s5, s10;
	s13 =	sadd.s32 s3, s8;
	[dreg:$0x6] =	wrdreg s14  }
0xd: {  	s26 =	sor.u32 $0xC000, s4;
	s15 =	sadd.s32 s3, s9;
	[dreg:$0x5] =	wrdreg s13  }
0xe: {  	s1 =	sadd.s32 s6, s1;
	s16 =	sadd.s32 s0, s8;
	[dreg:$0x7] =	wrdreg s15  }
0xf: {  	s11 =	sor.u32 $0x1E000, s4;
	s18 =	sadd.s32 s3, s17;
	[dreg:$0x8] =	wrdreg s16  }
0x10: {  	s6 =	simm.s32 $0x4;
	s19 =	sadd.s32 s0, s9;
	[dreg:$0x9] =	wrdreg s18  }
0x11: {  	s21 =	sadd.s32 s3, s20;
	s22 =	sadd.s32 s0, s17;
	[dreg:$0xa] =	wrdreg s19  }
0x12: {  	s24 =	sadd.s32 s3, s23;
	s25 =	sadd.s32 s0, s20;
	[dreg:$0xb] =	wrdreg s21  }
0x13: {  	s10 =	sadd.s32 s3, s26;
	s12 =	sadd.s32 s0, s23;
	[dreg:$0xc] =	wrdreg s22  }
0x14: {  	s28 =	sadd.s32 s0, s26;
	s14 =	sor.u32 $0x10000, s4;
	[dreg:$0xd] =	wrdreg s24  }
0x15: {  	s17 =	sor.u32 $0x16000, s4;
	s8 =	sor.u32 $0x18000, s4;
	[dreg:$0xe] =	wrdreg s25  }
0x16: {  	s9 =	sor.u32 $0x1A000, s4;
	s7 =	sadd.s32 s3, s11;
	[dreg:$0xf] =	wrdreg s10  }
0x17: {  	[dreg:$0x10] =	wrdreg s12;
	s13 =	sor.u32 $0xE000, s4;
	s26 =	sadd.s32 s3, s14  }
0x18: {  	s15 =	sor.u32 $0x12000, s4;
	s23 =	sadd.s32 s0, s14;
	s16 =	sor.u32 $0x14000, s4  }
0x19: {  	s20 =	sadd.s32 s3, s17;
	s18 =	sadd.s32 s3, s8;
	s17 =	sadd.s32 s0, s17  }
0x1a: {  	s10 =	sor.u32 $0x1C000, s4;
	s14 =	smax.u32 s5, $0x1;
	s5 =	simm.s32 $0x10000  }
0x1b: {  	s29 =	sadd.s32 s3, s13;
	s25 =	sadd.s32 s0, s13;
	s24 =	sadd.s32 s3, s15  }
0x1c: {  	s22 =	sadd.s32 s3, s16;
	s21 =	sadd.s32 s0, s15;
	p1 =	sne.s32 s14, $0x1  }
.Ltmp0:
0x1d: {  	s19 =	sadd.s32 s0, s16;
	s15 =	sadd.s32 s3, s9;
	(pc) =	sbr.rel @!p1 .LBB2_5-.Ltmp0, $4  }
0x1e: {  	s13 =	sadd.s32 s0, s8;
	s12 =	sadd.s32 s3, s10;
	s9 =	sadd.s32 s0, s9  }
0x1f: {  	s4 =	sadd.s32 s0, s10;
	s3 =	sadd.s32 s0, s11;
	s16 =	sor.u32 $0x1C01, s30  }
0x20: {  	s8 =	sshrl.u32 s1, $0x3;
	s0 =	sadd.s32 $0xFFFFFFFF, s14;
	s14 =	simm.s32 $0x1  }
0x21: {  	s11 =	simm.s32 $0x3;
	s10 =	simm.s32 $0x2;
	s1 =	rddreg [dreg:$0x4]  }
0x22: {  	[spmem:s8], [sflag:s16] =	dma.local [hbm:s1], $0x2000  }
0x23: {  	s1 =	rddreg [dreg:$0x5]  }
0x24: {  	[tilespmem:s5], [sflag:$0x2] =	stream.linear.gather [hbm4b:s1+s2], $0x10000, $0x38;
	v63 =	vld [tilespmem:$0x0]  }
0x25: {  	_ =	swait.ge [sflag:s14], $0x2000  }
0x26: {  	[sflag:s14] =	ssyncset.done $0x0  }
0x27: {  	s31 =	sor.u32 $0x1C03, s30;
	s1 =	rddreg [dreg:$0x6];
	[sflag:s14] =	ssyncadd.s32 $0xFFFFE000  }
0x28: {  	[hbm:s1], [sflag:s31] =	dma.local [spmem:s8], $0x2000  }
0x29: {  	_ =	swait.ge [sflag:s11], $0x2000  }
0x2a: {  	[sflag:s11] =	ssyncset.done $0x0  }
0x2b: {  	s1 =	rddreg [dreg:$0x7];
	[sflag:s11] =	ssyncadd.s32 $0xFFFFE000  }
0x2c: {  	[spmem:s8], [sflag:s16] =	dma.local [hbm:s1], $0x2000  }
0x2d: {  	_ =	swait.ge [sflag:s10], $0x10000  }
0x2e: {  	[sflag:s10] =	ssyncset.done $0x0  }
0x2f: {  	s1 =	rddreg [dreg:$0x8];
	[sflag:s10] =	ssyncadd.s32 $0xFFFF0000  }
0x30: {  	[hbm4b:s1+s2] =	stream.linear.scatter [tilespmem:s5], [sflag:$0x4], $0x10000, $0x38;
	v63 =	vld [tilespmem:$0x0]  }
0x31: {  	_ =	swait.ge [sflag:s6], $0x10000  }
0x32: {  	[sflag:s6] =	ssyncset.done $0x0  }
0x33: {  	s1 =	rddreg [dreg:$0x9];
	[sflag:s6] =	ssyncadd.s32 $0xFFFF0000  }
0x34: {  	[tilespmem:s5], [sflag:$0x2] =	stream.linear.gather [hbm4b:s1+s2], $0x10000, $0x38;
	v63 =	vld [tilespmem:$0x0]  }
0x35: {  	_ =	swait.ge [sflag:s14], $0x2000  }
0x36: {  	[sflag:s14] =	ssyncset.done $0x0  }
0x37: {  	s1 =	rddreg [dreg:$0xa];
	[sflag:s14] =	ssyncadd.s32 $0xFFFFE000  }
0x38: {  	[hbm:s1], [sflag:s31] =	dma.local [spmem:s8], $0x2000  }
0x39: {  	_ =	swait.ge [sflag:s11], $0x2000  }
0x3a: {  	[sflag:s11] =	ssyncset.done $0x0  }
0x3b: {  	s1 =	rddreg [dreg:$0xb];
	[sflag:s11] =	ssyncadd.s32 $0xFFFFE000  }
0x3c: {  	[spmem:s8], [sflag:s16] =	dma.local [hbm:s1], $0x2000  }
0x3d: {  	_ =	swait.ge [sflag:s10], $0x10000  }
0x3e: {  	[sflag:s10] =	ssyncset.done $0x0  }
0x3f: {  	s1 =	rddreg [dreg:$0xc];
	[sflag:s10] =	ssyncadd.s32 $0xFFFF0000  }
0x40: {  	[hbm4b:s1+s2] =	stream.linear.scatter [tilespmem:s5], [sflag:$0x4], $0x10000, $0x38;
	v63 =	vld [tilespmem:$0x0]  }
0x41: {  	_ =	swait.ge [sflag:s6], $0x10000  }
0x42: {  	[sflag:s6] =	ssyncset.done $0x0  }
0x43: {  	s1 =	rddreg [dreg:$0xd];
	[sflag:s6] =	ssyncadd.s32 $0xFFFF0000  }
0x44: {  	[tilespmem:s5], [sflag:$0x2] =	stream.linear.gather [hbm4b:s1+s2], $0x10000, $0x38;
	v63 =	vld [tilespmem:$0x0]  }
0x45: {  	_ =	swait.ge [sflag:s14], $0x2000  }
0x46: {  	[sflag:s14] =	ssyncset.done $0x0  }
0x47: {  	s1 =	rddreg [dreg:$0xe];
	[sflag:s14] =	ssyncadd.s32 $0xFFFFE000  }
0x48: {  	[hbm:s1], [sflag:s31] =	dma.local [spmem:s8], $0x2000  }
0x49: {  	_ =	swait.ge [sflag:s11], $0x2000  }
0x4a: {  	[sflag:s11] =	ssyncset.done $0x0  }
0x4b: {  	s1 =	rddreg [dreg:$0xf];
	[sflag:s11] =	ssyncadd.s32 $0xFFFFE000  }
0x4c: {  	[spmem:s8], [sflag:s16] =	dma.local [hbm:s1], $0x2000  }
0x4d: {  	_ =	swait.ge [sflag:s10], $0x10000  }
0x4e: {  	[sflag:s10] =	ssyncset.done $0x0  }
0x4f: {  	s1 =	rddreg [dreg:$0x10];
	[sflag:s10] =	ssyncadd.s32 $0xFFFF0000  }
0x50: {  	[hbm4b:s1+s2] =	stream.linear.scatter [tilespmem:s5], [sflag:$0x4], $0x10000, $0x38;
	v63 =	vld [tilespmem:$0x0]  }
0x51: {  	_ =	swait.ge [sflag:s6], $0x10000  }
0x52: {  	[sflag:s6] =	ssyncset.done $0x0  }
0x53: {  	[sflag:s6] =	ssyncadd.s32 $0xFFFF0000  }
0x54: {  	[tilespmem:s5], [sflag:$0x2] =	stream.linear.gather [hbm4b:s29+s2], $0x10000, $0x38;
	v63 =	vld [tilespmem:$0x0]  }
0x55: {  	_ =	swait.ge [sflag:s14], $0x2000  }
0x56: {  	[sflag:s14] =	ssyncset.done $0x0  }
0x57: {  	[sflag:s14] =	ssyncadd.s32 $0xFFFFE000  }
0x58: {  	[hbm:s28], [sflag:s31] =	dma.local [spmem:s8], $0x2000  }
0x59: {  	_ =	swait.ge [sflag:s11], $0x2000  }
0x5a: {  	[sflag:s11] =	ssyncset.done $0x0  }
0x5b: {  	[sflag:s11] =	ssyncadd.s32 $0xFFFFE000  }
0x5c: {  	[spmem:s8], [sflag:s16] =	dma.local [hbm:s26], $0x2000  }
0x5d: {  	_ =	swait.ge [sflag:s10], $0x10000  }
0x5e: {  	[sflag:s10] =	ssyncset.done $0x0  }
0x5f: {  	[sflag:s10] =	ssyncadd.s32 $0xFFFF0000  }
0x60: {  	[hbm4b:s25+s2] =	stream.linear.scatter [tilespmem:s5], [sflag:$0x4], $0x10000, $0x38;
	v63 =	vld [tilespmem:$0x0]  }
0x61: {  	_ =	swait.ge [sflag:s6], $0x10000  }
0x62: {  	[sflag:s6] =	ssyncset.done $0x0  }
0x63: {  	[sflag:s6] =	ssyncadd.s32 $0xFFFF0000  }
0x64: {  	[tilespmem:s5], [sflag:$0x2] =	stream.linear.gather [hbm4b:s24+s2], $0x10000, $0x38;
	v63 =	vld [tilespmem:$0x0]  }
0x65: {  	_ =	swait.ge [sflag:s14], $0x2000  }
0x66: {  	[sflag:s14] =	ssyncset.done $0x0  }
0x67: {  	[sflag:s14] =	ssyncadd.s32 $0xFFFFE000  }
0x68: {  	[hbm:s23], [sflag:s31] =	dma.local [spmem:s8], $0x2000  }
0x69: {  	_ =	swait.ge [sflag:s11], $0x2000  }
0x6a: {  	[sflag:s11] =	ssyncset.done $0x0  }
0x6b: {  	[sflag:s11] =	ssyncadd.s32 $0xFFFFE000  }
0x6c: {  	[spmem:s8], [sflag:s16] =	dma.local [hbm:s22], $0x2000  }
0x6d: {  	_ =	swait.ge [sflag:s10], $0x10000  }
0x6e: {  	[sflag:s10] =	ssyncset.done $0x0  }
0x6f: {  	[sflag:s10] =	ssyncadd.s32 $0xFFFF0000  }
0x70: {  	[hbm4b:s21+s2] =	stream.linear.scatter [tilespmem:s5], [sflag:$0x4], $0x10000, $0x38;
	v63 =	vld [tilespmem:$0x0]  }
0x71: {  	_ =	swait.ge [sflag:s6], $0x10000  }
0x72: {  	[sflag:s6] =	ssyncset.done $0x0  }
0x73: {  	[sflag:s6] =	ssyncadd.s32 $0xFFFF0000  }
0x74: {  	[tilespmem:s5], [sflag:$0x2] =	stream.linear.gather [hbm4b:s20+s2], $0x10000, $0x38;
	v63 =	vld [tilespmem:$0x0]  }
0x75: {  	_ =	swait.ge [sflag:s14], $0x2000  }
0x76: {  	[sflag:s14] =	ssyncset.done $0x0  }
0x77: {  	[sflag:s14] =	ssyncadd.s32 $0xFFFFE000  }
0x78: {  	[hbm:s19], [sflag:s31] =	dma.local [spmem:s8], $0x2000  }
0x79: {  	_ =	swait.ge [sflag:s11], $0x2000  }
0x7a: {  	[sflag:s11] =	ssyncset.done $0x0  }
0x7b: {  	[sflag:s11] =	ssyncadd.s32 $0xFFFFE000  }
0x7c: {  	[spmem:s8], [sflag:s16] =	dma.local [hbm:s18], $0x2000  }
0x7d: {  	_ =	swait.ge [sflag:s10], $0x10000  }
0x7e: {  	[sflag:s10] =	ssyncset.done $0x0  }
0x7f: {  	[sflag:s10] =	ssyncadd.s32 $0xFFFF0000  }
0x80: {  	[hbm4b:s17+s2] =	stream.linear.scatter [tilespmem:s5], [sflag:$0x4], $0x10000, $0x38;
	v63 =	vld [tilespmem:$0x0]  }
0x81: {  	_ =	swait.ge [sflag:s6], $0x10000  }
0x82: {  	[sflag:s6] =	ssyncset.done $0x0  }
0x83: {  	[sflag:s6] =	ssyncadd.s32 $0xFFFF0000  }
0x84: {  	[tilespmem:s5], [sflag:$0x2] =	stream.linear.gather [hbm4b:s15+s2], $0x10000, $0x38;
	v63 =	vld [tilespmem:$0x0]  }
0x85: {  	_ =	swait.ge [sflag:s14], $0x2000  }
0x86: {  	[sflag:s14] =	ssyncset.done $0x0  }
0x87: {  	[sflag:s14] =	ssyncadd.s32 $0xFFFFE000  }
0x88: {  	[hbm:s13], [sflag:s31] =	dma.local [spmem:s8], $0x2000  }
0x89: {  	_ =	swait.ge [sflag:s11], $0x2000  }
0x8a: {  	[sflag:s11] =	ssyncset.done $0x0  }
0x8b: {  	[sflag:s11] =	ssyncadd.s32 $0xFFFFE000  }
0x8c: {  	[spmem:s8], [sflag:s16] =	dma.local [hbm:s12], $0x2000  }
0x8d: {  	_ =	swait.ge [sflag:s10], $0x10000  }
0x8e: {  	[sflag:s10] =	ssyncset.done $0x0  }
0x8f: {  	[sflag:s10] =	ssyncadd.s32 $0xFFFF0000  }
0x90: {  	[hbm4b:s9+s2] =	stream.linear.scatter [tilespmem:s5], [sflag:$0x4], $0x10000, $0x38;
	v63 =	vld [tilespmem:$0x0]  }
0x91: {  	_ =	swait.ge [sflag:s6], $0x10000  }
0x92: {  	[sflag:s6] =	ssyncset.done $0x0  }
0x93: {  	[sflag:s6] =	ssyncadd.s32 $0xFFFF0000  }
0x94: {  	[tilespmem:s5], [sflag:$0x2] =	stream.linear.gather [hbm4b:s7+s2], $0x10000, $0x38;
	v63 =	vld [tilespmem:$0x0]  }
0x95: {  	_ =	swait.ge [sflag:s14], $0x2000  }
0x96: {  	[sflag:s14] =	ssyncset.done $0x0  }
0x97: {  	[sflag:s14] =	ssyncadd.s32 $0xFFFFE000  }
0x98: {  	[hbm:s4], [sflag:s31] =	dma.local [spmem:s8], $0x2000  }
0x99: {  	_ =	swait.ge [sflag:s11], $0x2000  }
0x9a: {  	[sflag:s11] =	ssyncset.done $0x0  }
0x9b: {  	[sflag:s11] =	ssyncadd.s32 $0xFFFFE000  }
0x9c: {  	p1 =	sne.s32 s0, $0x1;
	_ =	swait.ge [sflag:s10], $0x10000  }
.Ltmp1:
0x9d: {  	[sflag:s10] =	ssyncset.done $0x0;
	(pc) =	sbr.rel @!p1 .LBB2_2-.Ltmp1, $4  }
0x9e: {  	[sflag:s10] =	ssyncadd.s32 $0xFFFF0000  }
0x9f: {  	[hbm4b:s3+s2] =	stream.linear.scatter [tilespmem:s5], [sflag:$0x4], $0x10000, $0x38;
	v63 =	vld [tilespmem:$0x0]  }
0xa0: {  	s0 =	sadd.s32 $0xFFFFFFFF, s0;
	_ =	swait.ge [sflag:s6], $0x10000  }
0xa1: {  	p0 =	por $0x1, $0x1;
	s1 =	rddreg [dreg:$0x4];
	[sflag:s6] =	ssyncset.done $0x0  }
.LBB2_3:
0xa2: {  	[sflag:s6] =	ssyncadd.s32 $0xFFFF0000  }
0xa3: {  	[spmem:s8], [sflag:s16] =	dma.local [hbm:s1], $0x2000  }
0xa4: {  	s1 =	rddreg [dreg:$0x5]  }
0xa5: {  	[tilespmem:s5], [sflag:$0x2] =	stream.linear.gather [hbm4b:s1+s2], $0x10000, $0x38;
	v63 =	vld [tilespmem:$0x0]  }
0xa6: {  	_ =	swait.ge [sflag:s14], $0x2000  }
0xa7: {  	[sflag:s14] =	ssyncset.done $0x0  }
0xa8: {  	s1 =	rddreg [dreg:$0x6];
	[sflag:s14] =	ssyncadd.s32 $0xFFFFE000  }
0xa9: {  	[hbm:s1], [sflag:s31] =	dma.local [spmem:s8], $0x2000  }
0xaa: {  	_ =	swait.ge [sflag:s11], $0x2000  }
0xab: {  	[sflag:s11] =	ssyncset.done $0x0  }
0xac: {  	s1 =	rddreg [dreg:$0x7];
	[sflag:s11] =	ssyncadd.s32 $0xFFFFE000  }
0xad: {  	[spmem:s8], [sflag:s16] =	dma.local [hbm:s1], $0x2000  }
0xae: {  	_ =	swait.ge [sflag:s10], $0x10000  }
0xaf: {  	[sflag:s10] =	ssyncset.done $0x0  }
0xb0: {  	s1 =	rddreg [dreg:$0x8];
	[sflag:s10] =	ssyncadd.s32 $0xFFFF0000  }
0xb1: {  	[hbm4b:s1+s2] =	stream.linear.scatter [tilespmem:s5], [sflag:$0x4], $0x10000, $0x38;
	v63 =	vld [tilespmem:$0x0]  }
0xb2: {  	_ =	swait.ge [sflag:s6], $0x10000  }
0xb3: {  	[sflag:s6] =	ssyncset.done $0x0  }
0xb4: {  	s1 =	rddreg [dreg:$0x9];
	[sflag:s6] =	ssyncadd.s32 $0xFFFF0000  }
0xb5: {  	[tilespmem:s5], [sflag:$0x2] =	stream.linear.gather [hbm4b:s1+s2], $0x10000, $0x38;
	v63 =	vld [tilespmem:$0x0]  }
0xb6: {  	_ =	swait.ge [sflag:s14], $0x2000  }
0xb7: {  	[sflag:s14] =	ssyncset.done $0x0  }
0xb8: {  	s1 =	rddreg [dreg:$0xa];
	[sflag:s14] =	ssyncadd.s32 $0xFFFFE000  }
0xb9: {  	[hbm:s1], [sflag:s31] =	dma.local [spmem:s8], $0x2000  }
0xba: {  	_ =	swait.ge [sflag:s11], $0x2000  }
0xbb: {  	[sflag:s11] =	ssyncset.done $0x0  }
0xbc: {  	s1 =	rddreg [dreg:$0xb];
	[sflag:s11] =	ssyncadd.s32 $0xFFFFE000  }
0xbd: {  	[spmem:s8], [sflag:s16] =	dma.local [hbm:s1], $0x2000  }
0xbe: {  	_ =	swait.ge [sflag:s10], $0x10000  }
0xbf: {  	[sflag:s10] =	ssyncset.done $0x0  }
0xc0: {  	s1 =	rddreg [dreg:$0xc];
	[sflag:s10] =	ssyncadd.s32 $0xFFFF0000  }
0xc1: {  	[hbm4b:s1+s2] =	stream.linear.scatter [tilespmem:s5], [sflag:$0x4], $0x10000, $0x38;
	v63 =	vld [tilespmem:$0x0]  }
0xc2: {  	_ =	swait.ge [sflag:s6], $0x10000  }
0xc3: {  	[sflag:s6] =	ssyncset.done $0x0  }
0xc4: {  	s1 =	rddreg [dreg:$0xd];
	[sflag:s6] =	ssyncadd.s32 $0xFFFF0000  }
0xc5: {  	[tilespmem:s5], [sflag:$0x2] =	stream.linear.gather [hbm4b:s1+s2], $0x10000, $0x38;
	v63 =	vld [tilespmem:$0x0]  }
0xc6: {  	_ =	swait.ge [sflag:s14], $0x2000  }
0xc7: {  	[sflag:s14] =	ssyncset.done $0x0  }
0xc8: {  	s1 =	rddreg [dreg:$0xe];
	[sflag:s14] =	ssyncadd.s32 $0xFFFFE000  }
0xc9: {  	[hbm:s1], [sflag:s31] =	dma.local [spmem:s8], $0x2000  }
0xca: {  	_ =	swait.ge [sflag:s11], $0x2000  }
0xcb: {  	[sflag:s11] =	ssyncset.done $0x0  }
0xcc: {  	s1 =	rddreg [dreg:$0xf];
	[sflag:s11] =	ssyncadd.s32 $0xFFFFE000  }
0xcd: {  	[spmem:s8], [sflag:s16] =	dma.local [hbm:s1], $0x2000  }
0xce: {  	_ =	swait.ge [sflag:s10], $0x10000  }
0xcf: {  	[sflag:s10] =	ssyncset.done $0x0  }
0xd0: {  	s1 =	rddreg [dreg:$0x10];
	[sflag:s10] =	ssyncadd.s32 $0xFFFF0000  }
0xd1: {  	[hbm4b:s1+s2] =	stream.linear.scatter [tilespmem:s5], [sflag:$0x4], $0x10000, $0x38;
	v63 =	vld [tilespmem:$0x0]  }
0xd2: {  	_ =	swait.ge [sflag:s6], $0x10000  }
0xd3: {  	[sflag:s6] =	ssyncset.done $0x0  }
0xd4: {  	[sflag:s6] =	ssyncadd.s32 $0xFFFF0000  }
0xd5: {  	[tilespmem:s5], [sflag:$0x2] =	stream.linear.gather [hbm4b:s29+s2], $0x10000, $0x38;
	v63 =	vld [tilespmem:$0x0]  }
0xd6: {  	_ =	swait.ge [sflag:s14], $0x2000  }
0xd7: {  	[sflag:s14] =	ssyncset.done $0x0  }
0xd8: {  	[sflag:s14] =	ssyncadd.s32 $0xFFFFE000  }
0xd9: {  	[hbm:s28], [sflag:s31] =	dma.local [spmem:s8], $0x2000  }
0xda: {  	_ =	swait.ge [sflag:s11], $0x2000  }
0xdb: {  	[sflag:s11] =	ssyncset.done $0x0  }
0xdc: {  	[sflag:s11] =	ssyncadd.s32 $0xFFFFE000  }
0xdd: {  	[spmem:s8], [sflag:s16] =	dma.local [hbm:s26], $0x2000  }
0xde: {  	_ =	swait.ge [sflag:s10], $0x10000  }
0xdf: {  	[sflag:s10] =	ssyncset.done $0x0  }
0xe0: {  	[sflag:s10] =	ssyncadd.s32 $0xFFFF0000  }
0xe1: {  	[hbm4b:s25+s2] =	stream.linear.scatter [tilespmem:s5], [sflag:$0x4], $0x10000, $0x38;
	v63 =	vld [tilespmem:$0x0]  }
0xe2: {  	_ =	swait.ge [sflag:s6], $0x10000  }
0xe3: {  	[sflag:s6] =	ssyncset.done $0x0  }
0xe4: {  	[sflag:s6] =	ssyncadd.s32 $0xFFFF0000  }
0xe5: {  	[tilespmem:s5], [sflag:$0x2] =	stream.linear.gather [hbm4b:s24+s2], $0x10000, $0x38;
	v63 =	vld [tilespmem:$0x0]  }
0xe6: {  	_ =	swait.ge [sflag:s14], $0x2000  }
0xe7: {  	[sflag:s14] =	ssyncset.done $0x0  }
0xe8: {  	[sflag:s14] =	ssyncadd.s32 $0xFFFFE000  }
0xe9: {  	[hbm:s23], [sflag:s31] =	dma.local [spmem:s8], $0x2000  }
0xea: {  	_ =	swait.ge [sflag:s11], $0x2000  }
0xeb: {  	[sflag:s11] =	ssyncset.done $0x0  }
0xec: {  	[sflag:s11] =	ssyncadd.s32 $0xFFFFE000  }
0xed: {  	[spmem:s8], [sflag:s16] =	dma.local [hbm:s22], $0x2000  }
0xee: {  	_ =	swait.ge [sflag:s10], $0x10000  }
0xef: {  	[sflag:s10] =	ssyncset.done $0x0  }
0xf0: {  	[sflag:s10] =	ssyncadd.s32 $0xFFFF0000  }
0xf1: {  	[hbm4b:s21+s2] =	stream.linear.scatter [tilespmem:s5], [sflag:$0x4], $0x10000, $0x38;
	v63 =	vld [tilespmem:$0x0]  }
0xf2: {  	_ =	swait.ge [sflag:s6], $0x10000  }
0xf3: {  	[sflag:s6] =	ssyncset.done $0x0  }
0xf4: {  	[sflag:s6] =	ssyncadd.s32 $0xFFFF0000  }
0xf5: {  	[tilespmem:s5], [sflag:$0x2] =	stream.linear.gather [hbm4b:s20+s2], $0x10000, $0x38;
	v63 =	vld [tilespmem:$0x0]  }
0xf6: {  	_ =	swait.ge [sflag:s14], $0x2000  }
0xf7: {  	[sflag:s14] =	ssyncset.done $0x0  }
0xf8: {  	[sflag:s14] =	ssyncadd.s32 $0xFFFFE000  }
0xf9: {  	[hbm:s19], [sflag:s31] =	dma.local [spmem:s8], $0x2000  }
0xfa: {  	_ =	swait.ge [sflag:s11], $0x2000  }
0xfb: {  	[sflag:s11] =	ssyncset.done $0x0  }
0xfc: {  	[sflag:s11] =	ssyncadd.s32 $0xFFFFE000  }
0xfd: {  	[spmem:s8], [sflag:s16] =	dma.local [hbm:s18], $0x2000  }
0xfe: {  	_ =	swait.ge [sflag:s10], $0x10000  }
0xff: {  	[sflag:s10] =	ssyncset.done $0x0  }
0x100: {  	[sflag:s10] =	ssyncadd.s32 $0xFFFF0000  }
0x101: {  	[hbm4b:s17+s2] =	stream.linear.scatter [tilespmem:s5], [sflag:$0x4], $0x10000, $0x38;
	v63 =	vld [tilespmem:$0x0]  }
0x102: {  	_ =	swait.ge [sflag:s6], $0x10000  }
0x103: {  	[sflag:s6] =	ssyncset.done $0x0  }
0x104: {  	[sflag:s6] =	ssyncadd.s32 $0xFFFF0000  }
0x105: {  	[tilespmem:s5], [sflag:$0x2] =	stream.linear.gather [hbm4b:s15+s2], $0x10000, $0x38;
	v63 =	vld [tilespmem:$0x0]  }
0x106: {  	_ =	swait.ge [sflag:s14], $0x2000  }
0x107: {  	[sflag:s14] =	ssyncset.done $0x0  }
0x108: {  	[sflag:s14] =	ssyncadd.s32 $0xFFFFE000  }
0x109: {  	[hbm:s13], [sflag:s31] =	dma.local [spmem:s8], $0x2000  }
0x10a: {  	_ =	swait.ge [sflag:s11], $0x2000  }
0x10b: {  	[sflag:s11] =	ssyncset.done $0x0  }
0x10c: {  	[sflag:s11] =	ssyncadd.s32 $0xFFFFE000  }
0x10d: {  	[spmem:s8], [sflag:s16] =	dma.local [hbm:s12], $0x2000  }
0x10e: {  	_ =	swait.ge [sflag:s10], $0x10000  }
0x10f: {  	[sflag:s10] =	ssyncset.done $0x0  }
0x110: {  	[sflag:s10] =	ssyncadd.s32 $0xFFFF0000  }
0x111: {  	[hbm4b:s9+s2] =	stream.linear.scatter [tilespmem:s5], [sflag:$0x4], $0x10000, $0x38;
	v63 =	vld [tilespmem:$0x0]  }
0x112: {  	_ =	swait.ge [sflag:s6], $0x10000  }
0x113: {  	[sflag:s6] =	ssyncset.done $0x0  }
0x114: {  	[sflag:s6] =	ssyncadd.s32 $0xFFFF0000  }
0x115: {  	[tilespmem:s5], [sflag:$0x2] =	stream.linear.gather [hbm4b:s7+s2], $0x10000, $0x38;
	v63 =	vld [tilespmem:$0x0]  }
0x116: {  	_ =	swait.ge [sflag:s14], $0x2000  }
0x117: {  	[sflag:s14] =	ssyncset.done $0x0  }
0x118: {  	[sflag:s14] =	ssyncadd.s32 $0xFFFFE000  }
0x119: {  	[hbm:s4], [sflag:s31] =	dma.local [spmem:s8], $0x2000  }
0x11a: {  	_ =	swait.ge [sflag:s11], $0x2000  }
0x11b: {  	[sflag:s11] =	ssyncset.done $0x0  }
0x11c: {  	[sflag:s11] =	ssyncadd.s32 $0xFFFFE000  }
0x11d: {  	p1 =	sne.s32 s0, $0x1;
	_ =	swait.ge [sflag:s10], $0x10000  }
.Ltmp2:
0x11e: {  	[sflag:s10] =	ssyncset.done $0x0;
	(pc) =	sbr.rel @p1 .LBB2_3-.Ltmp2, $4  }
0x11f: {  	[sflag:s10] =	ssyncadd.s32 $0xFFFF0000  }
0x120: {  	[hbm4b:s3+s2] =	stream.linear.scatter [tilespmem:s5], [sflag:$0x4], $0x10000, $0x38;
	v63 =	vld [tilespmem:$0x0]  }
0x121: {  	_ =	swait.ge [sflag:s6], $0x10000  }
0x122: {  	s0 =	sadd.s32 $0xFFFFFFFF, s0;
	s1 =	rddreg [dreg:$0x4];
	[sflag:s6] =	ssyncset.done $0x0  }
0x123: {  	s31 =	rddreg [dreg:$0x3]  }
.LBB2_5:
0x124: {  	[sflag:s6] =	ssyncadd.s32 @p0 $0xFFFF0000  }
0x125: {  	[spmem:s8], [sflag:s16] =	dma.local [hbm:s1], $0x2000  }
0x126: {  	s0 =	rddreg [dreg:$0x5]  }
0x127: {  	[tilespmem:s5], [sflag:$0x2] =	stream.linear.gather [hbm4b:s0+s2], $0x10000, $0x38;
	v63 =	vld [tilespmem:$0x0]  }
0x128: {  	_ =	swait.ge [sflag:s14], $0x2000  }
0x129: {  	[sflag:s14] =	ssyncset.done $0x0  }
0x12a: {  	s0 =	sor.u32 $0x1C03, s30;
	s1 =	rddreg [dreg:$0x6];
	[sflag:s14] =	ssyncadd.s32 $0xFFFFE000  }
0x12b: {  	[hbm:s1], [sflag:s0] =	dma.local [spmem:s8], $0x2000  }
0x12c: {  	_ =	swait.ge [sflag:s11], $0x2000  }
0x12d: {  	[sflag:s11] =	ssyncset.done $0x0  }
0x12e: {  	s30 =	rddreg [dreg:$0x7];
	[sflag:s11] =	ssyncadd.s32 $0xFFFFE000  }
0x12f: {  	[spmem:s8], [sflag:s16] =	dma.local [hbm:s30], $0x2000  }
0x130: {  	_ =	swait.ge [sflag:s10], $0x10000  }
0x131: {  	[sflag:s10] =	ssyncset.done $0x0  }
0x132: {  	s30 =	rddreg [dreg:$0x8];
	[sflag:s10] =	ssyncadd.s32 $0xFFFF0000  }
0x133: {  	[hbm4b:s30+s2] =	stream.linear.scatter [tilespmem:s5], [sflag:$0x4], $0x10000, $0x38;
	v63 =	vld [tilespmem:$0x0]  }
0x134: {  	_ =	swait.ge [sflag:s6], $0x10000  }
0x135: {  	[sflag:s6] =	ssyncset.done $0x0  }
0x136: {  	s30 =	rddreg [dreg:$0x9];
	[sflag:s6] =	ssyncadd.s32 $0xFFFF0000  }
0x137: {  	[tilespmem:s5], [sflag:$0x2] =	stream.linear.gather [hbm4b:s30+s2], $0x10000, $0x38;
	v63 =	vld [tilespmem:$0x0]  }
0x138: {  	_ =	swait.ge [sflag:s14], $0x2000  }
0x139: {  	[sflag:s14] =	ssyncset.done $0x0  }
0x13a: {  	s30 =	rddreg [dreg:$0xa];
	[sflag:s14] =	ssyncadd.s32 $0xFFFFE000  }
0x13b: {  	[hbm:s30], [sflag:s0] =	dma.local [spmem:s8], $0x2000  }
0x13c: {  	_ =	swait.ge [sflag:s11], $0x2000  }
0x13d: {  	[sflag:s11] =	ssyncset.done $0x0  }
0x13e: {  	s30 =	rddreg [dreg:$0xb];
	[sflag:s11] =	ssyncadd.s32 $0xFFFFE000  }
0x13f: {  	[spmem:s8], [sflag:s16] =	dma.local [hbm:s30], $0x2000  }
0x140: {  	_ =	swait.ge [sflag:s10], $0x10000  }
0x141: {  	[sflag:s10] =	ssyncset.done $0x0  }
0x142: {  	s30 =	rddreg [dreg:$0xc];
	[sflag:s10] =	ssyncadd.s32 $0xFFFF0000  }
0x143: {  	[hbm4b:s30+s2] =	stream.linear.scatter [tilespmem:s5], [sflag:$0x4], $0x10000, $0x38;
	v63 =	vld [tilespmem:$0x0]  }
0x144: {  	_ =	swait.ge [sflag:s6], $0x10000  }
0x145: {  	[sflag:s6] =	ssyncset.done $0x0  }
0x146: {  	s30 =	rddreg [dreg:$0xd];
	[sflag:s6] =	ssyncadd.s32 $0xFFFF0000  }
0x147: {  	[tilespmem:s5], [sflag:$0x2] =	stream.linear.gather [hbm4b:s30+s2], $0x10000, $0x38;
	v63 =	vld [tilespmem:$0x0]  }
0x148: {  	_ =	swait.ge [sflag:s14], $0x2000  }
0x149: {  	[sflag:s14] =	ssyncset.done $0x0  }
0x14a: {  	s30 =	rddreg [dreg:$0xe];
	[sflag:s14] =	ssyncadd.s32 $0xFFFFE000  }
0x14b: {  	[hbm:s30], [sflag:s0] =	dma.local [spmem:s8], $0x2000  }
0x14c: {  	_ =	swait.ge [sflag:s11], $0x2000  }
0x14d: {  	[sflag:s11] =	ssyncset.done $0x0  }
0x14e: {  	s30 =	rddreg [dreg:$0xf];
	[sflag:s11] =	ssyncadd.s32 $0xFFFFE000  }
0x14f: {  	[spmem:s8], [sflag:s16] =	dma.local [hbm:s30], $0x2000  }
0x150: {  	_ =	swait.ge [sflag:s10], $0x10000  }
0x151: {  	[sflag:s10] =	ssyncset.done $0x0  }
0x152: {  	s30 =	rddreg [dreg:$0x10];
	[sflag:s10] =	ssyncadd.s32 $0xFFFF0000  }
0x153: {  	[hbm4b:s30+s2] =	stream.linear.scatter [tilespmem:s5], [sflag:$0x4], $0x10000, $0x38;
	v63 =	vld [tilespmem:$0x0]  }
0x154: {  	_ =	swait.ge [sflag:s6], $0x10000  }
0x155: {  	[sflag:s6] =	ssyncset.done $0x0  }
0x156: {  	[sflag:s6] =	ssyncadd.s32 $0xFFFF0000  }
0x157: {  	[tilespmem:s5], [sflag:$0x2] =	stream.linear.gather [hbm4b:s29+s2], $0x10000, $0x38;
	v63 =	vld [tilespmem:$0x0]  }
0x158: {  	_ =	swait.ge [sflag:s14], $0x2000  }
0x159: {  	[sflag:s14] =	ssyncset.done $0x0  }
0x15a: {  	[sflag:s14] =	ssyncadd.s32 $0xFFFFE000  }
0x15b: {  	[hbm:s28], [sflag:s0] =	dma.local [spmem:s8], $0x2000  }
0x15c: {  	_ =	swait.ge [sflag:s11], $0x2000  }
0x15d: {  	[sflag:s11] =	ssyncset.done $0x0  }
0x15e: {  	[sflag:s11] =	ssyncadd.s32 $0xFFFFE000  }
0x15f: {  	[spmem:s8], [sflag:s16] =	dma.local [hbm:s26], $0x2000  }
0x160: {  	_ =	swait.ge [sflag:s10], $0x10000  }
0x161: {  	[sflag:s10] =	ssyncset.done $0x0  }
0x162: {  	[sflag:s10] =	ssyncadd.s32 $0xFFFF0000  }
0x163: {  	[hbm4b:s25+s2] =	stream.linear.scatter [tilespmem:s5], [sflag:$0x4], $0x10000, $0x38;
	v63 =	vld [tilespmem:$0x0]  }
0x164: {  	_ =	swait.ge [sflag:s6], $0x10000  }
0x165: {  	[sflag:s6] =	ssyncset.done $0x0  }
0x166: {  	[sflag:s6] =	ssyncadd.s32 $0xFFFF0000  }
0x167: {  	[tilespmem:s5], [sflag:$0x2] =	stream.linear.gather [hbm4b:s24+s2], $0x10000, $0x38;
	v63 =	vld [tilespmem:$0x0]  }
0x168: {  	_ =	swait.ge [sflag:s14], $0x2000  }
0x169: {  	[sflag:s14] =	ssyncset.done $0x0  }
0x16a: {  	[sflag:s14] =	ssyncadd.s32 $0xFFFFE000  }
0x16b: {  	[hbm:s23], [sflag:s0] =	dma.local [spmem:s8], $0x2000  }
0x16c: {  	_ =	swait.ge [sflag:s11], $0x2000  }
0x16d: {  	[sflag:s11] =	ssyncset.done $0x0  }
0x16e: {  	[sflag:s11] =	ssyncadd.s32 $0xFFFFE000  }
0x16f: {  	[spmem:s8], [sflag:s16] =	dma.local [hbm:s22], $0x2000  }
0x170: {  	_ =	swait.ge [sflag:s10], $0x10000  }
0x171: {  	[sflag:s10] =	ssyncset.done $0x0  }
0x172: {  	[sflag:s10] =	ssyncadd.s32 $0xFFFF0000  }
0x173: {  	[hbm4b:s21+s2] =	stream.linear.scatter [tilespmem:s5], [sflag:$0x4], $0x10000, $0x38;
	v63 =	vld [tilespmem:$0x0]  }
0x174: {  	_ =	swait.ge [sflag:s6], $0x10000  }
0x175: {  	[sflag:s6] =	ssyncset.done $0x0  }
0x176: {  	[sflag:s6] =	ssyncadd.s32 $0xFFFF0000  }
0x177: {  	[tilespmem:s5], [sflag:$0x2] =	stream.linear.gather [hbm4b:s20+s2], $0x10000, $0x38;
	v63 =	vld [tilespmem:$0x0]  }
0x178: {  	_ =	swait.ge [sflag:s14], $0x2000  }
0x179: {  	[sflag:s14] =	ssyncset.done $0x0  }
0x17a: {  	[sflag:s14] =	ssyncadd.s32 $0xFFFFE000  }
0x17b: {  	[hbm:s19], [sflag:s0] =	dma.local [spmem:s8], $0x2000  }
0x17c: {  	_ =	swait.ge [sflag:s11], $0x2000  }
0x17d: {  	[sflag:s11] =	ssyncset.done $0x0  }
0x17e: {  	[sflag:s11] =	ssyncadd.s32 $0xFFFFE000  }
0x17f: {  	[spmem:s8], [sflag:s16] =	dma.local [hbm:s18], $0x2000  }
0x180: {  	_ =	swait.ge [sflag:s10], $0x10000  }
0x181: {  	[sflag:s10] =	ssyncset.done $0x0  }
0x182: {  	[sflag:s10] =	ssyncadd.s32 $0xFFFF0000  }
0x183: {  	[hbm4b:s17+s2] =	stream.linear.scatter [tilespmem:s5], [sflag:$0x4], $0x10000, $0x38;
	v63 =	vld [tilespmem:$0x0]  }
0x184: {  	_ =	swait.ge [sflag:s6], $0x10000  }
0x185: {  	[sflag:s6] =	ssyncset.done $0x0  }
0x186: {  	[sflag:s6] =	ssyncadd.s32 $0xFFFF0000  }
0x187: {  	[tilespmem:s5], [sflag:$0x2] =	stream.linear.gather [hbm4b:s15+s2], $0x10000, $0x38;
	v63 =	vld [tilespmem:$0x0]  }
0x188: {  	_ =	swait.ge [sflag:s14], $0x2000  }
0x189: {  	[sflag:s14] =	ssyncset.done $0x0  }
0x18a: {  	[sflag:s14] =	ssyncadd.s32 $0xFFFFE000  }
0x18b: {  	[hbm:s13], [sflag:s0] =	dma.local [spmem:s8], $0x2000  }
0x18c: {  	_ =	swait.ge [sflag:s11], $0x2000  }
0x18d: {  	[sflag:s11] =	ssyncset.done $0x0  }
0x18e: {  	[sflag:s11] =	ssyncadd.s32 $0xFFFFE000  }
0x18f: {  	[spmem:s8], [sflag:s16] =	dma.local [hbm:s12], $0x2000  }
0x190: {  	_ =	swait.ge [sflag:s10], $0x10000  }
0x191: {  	[sflag:s10] =	ssyncset.done $0x0  }
0x192: {  	[sflag:s10] =	ssyncadd.s32 $0xFFFF0000  }
0x193: {  	[hbm4b:s9+s2] =	stream.linear.scatter [tilespmem:s5], [sflag:$0x4], $0x10000, $0x38;
	v63 =	vld [tilespmem:$0x0]  }
0x194: {  	_ =	swait.ge [sflag:s6], $0x10000  }
0x195: {  	[sflag:s6] =	ssyncset.done $0x0  }
0x196: {  	[sflag:s6] =	ssyncadd.s32 $0xFFFF0000  }
0x197: {  	[tilespmem:s5], [sflag:$0x2] =	stream.linear.gather [hbm4b:s7+s2], $0x10000, $0x38;
	v63 =	vld [tilespmem:$0x0]  }
0x198: {  	_ =	swait.ge [sflag:s14], $0x2000  }
0x199: {  	[sflag:s14] =	ssyncset.done $0x0  }
0x19a: {  	[sflag:s14] =	ssyncadd.s32 $0xFFFFE000  }
0x19b: {  	[hbm:s4], [sflag:s0] =	dma.local [spmem:s8], $0x2000  }
0x19c: {  	_ =	swait.ge [sflag:s11], $0x2000  }
0x19d: {  	[sflag:s11] =	ssyncset.done $0x0  }
0x19e: {  	[sflag:s11] =	ssyncadd.s32 $0xFFFFE000  }
0x19f: {  	_ =	swait.ge [sflag:s10], $0x10000  }
0x1a0: {  	[sflag:s10] =	ssyncset.done $0x0  }
0x1a1: {  	[sflag:s10] =	ssyncadd.s32 $0xFFFF0000  }
0x1a2: {  	[hbm4b:s3+s2] =	stream.linear.scatter [tilespmem:s5], [sflag:$0x4], $0x10000, $0x38;
	v63 =	vld [tilespmem:$0x0]  }
0x1a3: {  	_ =	swait.ge [sflag:s6], $0x10000  }
0x1a4: {  	[sflag:s6] =	ssyncset.done $0x0  }
0x1a5: {  	[sflag:s6] =	ssyncadd.s32 $0xFFFF0000  }
0x1a6: {  	_ =	sfence.sel $0x180000  }
0x1a7: {  	s30 =	stileid.u32;
	[bflag:$0x0] =	sbarrier.arrive $0xFFFF  }
0x1a8: {  	p0 =	sne.s32 s30, $0x0;
	_ =	strace $0x90000047  }
0x1a9: {  	s0 =	sadd.s32 @!p0 $0x100000, s31;
	[bflag:$0x2] =	sbarrier.arrive $0xFFFF  }
0x1aa: {  	[sflag:s0] =	ssyncadd.tile.s32 @!p0 $0x1;
	_ =	shalt  }
.LBB2_2:
.Ltmp3:
0x1ab: {  	(pc) =	sbr.rel .LBB2_5-.Ltmp3, $2  }
0x1ac: {  	_ =	sdelay $0x2  }
0x1ad: {  	s31 =	rddreg [dreg:$0x3]  }
.Lfunc_end2:
_tile_overlayer_lowered:
.L_overlay_start_2:
0x1ae: {  	(tag) =	ssettag $0x2  }
0x1af: {  	s0 =	rddreg [dreg:$0x0];
	s2 =	stileid.u32  }
0x1b0: {  	s1 =	rddreg [dreg:$0x1];
	p0 =	sne.s32 s2, $0x0  }
0x1b1: {  	s3 =	rddreg [dreg:$0x2];
	[bflag:$0x3] =	sbarrier.arrive $0xFFFF;
	s2 =	simm.s32 @!p0 $0x1C05  }
0x1b2: {  	[timem:s3], [sflag:s2] =	dma.local @!p0 [hbm:s0], s1  }
0x1b3: {  	s0 =	simm.s32 @!p0 $0x5  }
0x1b4: {  	_ =	swait.ge @!p0 [sflag:s0], s1  }
0x1b5: {  	s1 =	ssub.s32 @!p0 $0x0, s1;
	[sflag:s0] =	ssyncset.done @!p0 $0x0  }
0x1b6: {  	[sflag:s0] =	ssyncadd.s32 @!p0 s1  }
0x1b7: {  	[bflag:$0x3] =	sbarrier.arrive $0xFFFF  }
0x1b8: {  	_ =	shalt  }

</sc_bundles>
